<compile_context>
chip_gen: v7x
topology: tpu7x:2x2x1
jax: 0.10.2.dev20260603
libtpu: 0.0.44.dev20260713+nightly
codegen_flags: <defaults>
</compile_context>

<pallas_src>
import functools

import jax
import jax.numpy as jnp
from jax import lax
from jax.experimental import pallas as pl
from jax.experimental.pallas import tpu as pltpu
from jax.experimental.pallas import tpu_sc as plsc

SOM_X, SOM_Y = 16, 16
N_CODES = SOM_X * SOM_Y
LATENT = 64
BATCH = 1024
TAB_ROWS = 264
_HI = lax.Precision.HIGHEST

_INFO = plsc.get_sparse_core_info()
_NC, _NS, _LN = _INFO.num_cores, _INFO.num_subcores, _INFO.num_lanes
_NW = _NC * _NS
_BPW = BATCH // _NW


def _lrelu(x):
    return jnp.where(x > 0, x, 0.01 * x)


def _rowb(ref):
    return ref[...][None, :]


def _enc_body(x_ref, eps_ref, e_ref, et_ref,
              w0_ref, b0_ref, w1_ref, b1_ref, wm_ref, bm_ref, wl_ref, bl_ref,
              ze_o, n_o, zq_o, tab_o):
    x = x_ref[...]
    eps = eps_ref[...]
    e = e_ref[...]

    zc2 = jnp.zeros((N_CODES, LATENT), jnp.float32)
    zr2 = jnp.zeros((TAB_ROWS - N_CODES, 2 * LATENT), jnp.float32)
    tab_o[...] = jnp.concatenate(
        [jnp.concatenate([e, zc2], axis=1), zr2], axis=0)

    h = _lrelu(x * w0_ref[...] + b0_ref[...])
    h = _lrelu(jnp.dot(h, w1_ref[...]) + b1_ref[...])
    mu = jnp.dot(h, wm_ref[...]) + bm_ref[...]
    logvar = jnp.dot(h, wl_ref[...]) + bl_ref[...]
    z = mu + eps * jnp.exp(0.5 * logvar)
    ze_o[...] = z

    et = et_ref[...]
    eb2 = jnp.sum(et * et, axis=0, keepdims=True)
    s = eb2 - 2.0 * jnp.dot(z, et, precision=_HI)

    iota = lax.broadcasted_iota(jnp.int32, (BATCH, N_CODES), 1)
    big = jnp.float32(3.4e38)

    m1 = jnp.min(s, axis=1, keepdims=True)
    n1 = jnp.min(jnp.where(s == m1, iota, N_CODES * 2), axis=1)
    s2 = jnp.where(iota == n1[:, None], big, s)
    m2 = jnp.min(s2, axis=1, keepdims=True)
    n2 = jnp.min(jnp.where(s2 == m2, iota, N_CODES * 2), axis=1)

    def onehot(idx):
        return (iota == idx[:, None]).astype(jnp.float32)

    oh = jnp.concatenate([onehot(n1), onehot(n2)], axis=0)
    g = jnp.dot(oh, e, precision=_HI)
    e1 = g[:BATCH]
    e2 = g[BATCH:]
    d1 = jnp.sum((e1 - z) * (e1 - z), axis=1)
    d2 = jnp.sum((e2 - z) * (e2 - z), axis=1)
    take2 = (d2 < d1) | ((d2 == d1) & (n2 < n1))
    n = jnp.where(take2, n2, n1)
    n_o[...] = jnp.reshape(n, (BATCH // 128, 128))
    zq_o[...] = jnp.where(take2[:, None], e2, e1)


def _dec_body(ze_ref, zq_ref, wd_ref, bd_ref, wd0_ref, bd0_ref,
              wd1_ref, bd1_ref, wd2_ref, bd2_ref, de_o, dq_o):
    zc = jnp.concatenate([ze_ref[...], zq_ref[...]], axis=0)
    t = _lrelu(jnp.dot(zc, wd_ref[...]) + bd_ref[...])
    t = _lrelu(jnp.dot(t, wd0_ref[...]) + bd0_ref[...])
    t = _lrelu(jnp.dot(t, wd1_ref[...]) + bd1_ref[...])
    d = _lrelu(jnp.dot(t, wd2_ref[...]) + bd2_ref[...])
    de_o[...] = d[:BATCH]
    dq_o[...] = d[BATCH:]


def _sc_gather_body(tab_hbm, n_hbm, up_hbm, dn_hbm, lf_hbm, qi, ib, gr, sem):
    wid = lax.axis_index("s") * _NC + lax.axis_index("c")
    base = wid * _BPW
    pltpu.sync_copy(n_hbm.at[pl.ds(base, _BPW)], qi)
    for i in range(_BPW // _LN):
        sl = pl.ds(i * _LN, _LN)
        v = qi[sl]
        ib[pl.ds(i * _LN, _LN)] = (
            jnp.where(v < N_CODES - SOM_Y, v + SOM_Y, N_CODES))
        ib[pl.ds(_BPW + i * _LN, _LN)] = (
            jnp.where(v >= SOM_Y, v - SOM_Y, N_CODES))
        ib[pl.ds(2 * _BPW + i * _LN, _LN)] = (
            jnp.where((v & (SOM_Y - 1)) > 0, v - 1, N_CODES))
    pltpu.async_copy(tab_hbm.at[ib], gr, sem).wait()
    bs = pl.ds(base, _BPW)
    cps = [pltpu.async_copy(gr.at[pl.ds(0, _BPW)], up_hbm.at[bs], sem),
           pltpu.async_copy(gr.at[pl.ds(_BPW, _BPW)], dn_hbm.at[bs], sem),
           pltpu.async_copy(gr.at[pl.ds(2 * _BPW, _BPW)], lf_hbm.at[bs], sem)]
    for cp in cps:
        cp.wait()


def kernel(x, eps, embeddings, W_enc0, b_enc0, W_enc1, b_enc1, W_mu, b_mu,
           W_lv, b_lv, W_dec, b_dec, W_dec0, b_dec0, W_dec1, b_dec1,
           W_dec2, b_dec2):
    f32 = jnp.float32
    e_flat = embeddings.reshape(N_CODES, LATENT)
    e_t = e_flat.T

    def row(b):
        return b.reshape(1, -1)

    z_e, n2d, z_q, tab = pl.pallas_call(
        _enc_body,
        out_shape=[
            jax.ShapeDtypeStruct((BATCH, LATENT), f32),
            jax.ShapeDtypeStruct((BATCH // 128, 128), jnp.int32),
            jax.ShapeDtypeStruct((BATCH, LATENT), f32),
            jax.ShapeDtypeStruct((TAB_ROWS, 2 * LATENT), f32),
        ],
    )(x, eps, e_flat, e_t,
      row(W_enc0.T.reshape(-1)), row(b_enc0), W_enc1.T, row(b_enc1),
      W_mu.T, row(b_mu), W_lv.T, row(b_lv))

    sc_gather = functools.partial(
        pl.kernel,
        mesh=plsc.VectorSubcoreMesh(core_axis_name="c", subcore_axis_name="s"),
        out_type=[
            jax.ShapeDtypeStruct((BATCH, 2 * LATENT), f32),
            jax.ShapeDtypeStruct((BATCH, 2 * LATENT), f32),
            jax.ShapeDtypeStruct((BATCH, 2 * LATENT), f32),
        ],
        scratch_types=[
            pltpu.VMEM((_BPW,), jnp.int32),
            pltpu.VMEM((3 * _BPW,), jnp.int32),
            pltpu.VMEM((3 * _BPW, 2 * LATENT), f32),
            pltpu.SemaphoreType.DMA,
        ],
    )(_sc_gather_body)
    up128, dn128, lf128 = sc_gather(tab, n2d.reshape(BATCH))

    de, dq = pl.pallas_call(
        _dec_body,
        out_shape=[jax.ShapeDtypeStruct((BATCH, 1), f32),
                   jax.ShapeDtypeStruct((BATCH, 1), f32)],
    )(z_e, z_q, W_dec.T, row(b_dec), W_dec0.T, row(b_dec0), W_dec1.T,
      row(b_dec1), W_dec2.T, row(b_dec2))

    z_q_neighbors = jnp.stack(
        [z_q, up128[:, :LATENT], dn128[:, :LATENT], jnp.zeros_like(z_q),
         lf128[:, :LATENT]], axis=1)
    return (z_e, z_q, z_q_neighbors, de, dq)

# --- scband reference (transcript-rebuilt; emitter-appended) ---
"""Pipeline reference for scband-vae-12481174962949 (READ-ONLY COPY).

The authoritative reference and input builder live on the scoring server;
editing this copy changes nothing except your own understanding.
"""

import jax, jax.numpy as jnp
import numpy as np

SOM_X, SOM_Y = 16, 16
LATENT = 64
BATCH = 1024


def _lrelu(x):
    return jnp.where(x > 0, x, 0.01 * x)


def _linear(x, W, b):
    return x @ W.T + b


def setup_inputs(seed: int = 0):
    key = jax.random.key(seed)
    ks = jax.random.split(key, 24)

    def w(k, shape, scale=0.1):
        return jax.random.normal(k, shape, dtype=jnp.float32) * scale

    inp = {}
    inp['x'] = jax.random.normal(ks[0], (BATCH, 1), dtype=jnp.float32)
    # eps for reparameterization (torch.randn_like made deterministic)
    inp['eps'] = jax.random.normal(ks[1], (BATCH, LATENT), dtype=jnp.float32)
    # SOM codebook: [som_x, som_y, latent_dim]
    inp['embeddings'] = jax.random.normal(ks[2], (SOM_X, SOM_Y, LATENT), dtype=jnp.float32)
    # encoder params
    inp['W_enc0'] = w(ks[3], (10, 1));      inp['b_enc0'] = jnp.zeros((10,), jnp.float32)
    inp['W_enc1'] = w(ks[4], (50, 10));     inp['b_enc1'] = jnp.zeros((50,), jnp.float32)
    inp['W_mu']   = w(ks[5], (LATENT, 50)); inp['b_mu']   = jnp.zeros((LATENT,), jnp.float32)
    inp['W_lv']   = w(ks[6], (LATENT, 50)); inp['b_lv']   = jnp.zeros((LATENT,), jnp.float32)
    # decoder params
    inp['W_dec']  = w(ks[7], (100, LATENT)); inp['b_dec']  = jnp.zeros((100,), jnp.float32)
    inp['W_dec0'] = w(ks[8], (60, 100));     inp['b_dec0'] = jnp.zeros((60,), jnp.float32)
    inp['W_dec1'] = w(ks[9], (30, 60));      inp['b_dec1'] = jnp.zeros((30,), jnp.float32)
    inp['W_dec2'] = w(ks[10], (1, 30));      inp['b_dec2'] = jnp.zeros((1,), jnp.float32)
    return inp


def reference(x, eps, embeddings, W_enc0, b_enc0, W_enc1, b_enc1, W_mu, b_mu,
              W_lv, b_lv, W_dec, b_dec, W_dec0, b_dec0, W_dec1, b_dec1,
              W_dec2, b_dec2):
    # encode
    h = _lrelu(_linear(x, W_enc0, b_enc0))
    h = _lrelu(_linear(h, W_enc1, b_enc1))
    mu = _linear(h, W_mu, b_mu)
    logvar = _linear(h, W_lv, b_lv)
    # reparameterize
    std = jnp.exp(0.5 * logvar)
    z_e = mu + eps * std
    # get_z_q: brute-force L2 distance to every SOM code
    z_dist = jnp.square(embeddings[None, :, :, :] - z_e[:, None, None, :])
    z_dist_sum = jnp.sum(z_dist, axis=-1)                 # [B, SOM_X, SOM_Y]
    z_dist_flat = z_dist_sum.reshape(z_e.shape[0], -1)    # [B, SOM_X*SOM_Y]
    n_min = jnp.argmin(z_dist_flat, axis=-1)
    n_x = n_min // SOM_Y
    n_y = n_min % SOM_Y
    z_q = embeddings[n_x, n_y]                            # gather_nd
    # neighbors
    x_not_top = n_x < SOM_X - 1
    x_not_bottom = n_x > 0
    y_not_right = n_y < SOM_Y - 1
    y_not_left = n_y > 0
    x_up = jnp.where(x_not_top, n_x + 1, n_x)
    x_down = jnp.where(x_not_bottom, n_x - 1, n_x)
    y_right = jnp.where(y_not_right, n_y + 1, n_y)
    y_left = jnp.where(y_not_left, n_y - 1, n_y)
    z_q_up = jnp.where(x_not_top[:, None], embeddings[x_up, n_y], 0.0)
    z_q_down = jnp.where(x_not_bottom[:, None], embeddings[x_down, n_y], 0.0)
    # NOTE: original torch code has `==` instead of `=` for z_q_right,
    # so z_q_right remains all zeros. Replicated faithfully.
    _ = embeddings[n_x, y_right]
    z_q_right = jnp.zeros((n_x.shape[0], LATENT), dtype=jnp.float32)
    z_q_left = jnp.where(y_not_left[:, None], embeddings[n_x, y_left], 0.0)
    z_q_neighbors = jnp.stack([z_q, z_q_up, z_q_down, z_q_right, z_q_left], axis=1)
    # decode both z_q and z_e
    def decode(z):
        d = _lrelu(_linear(z, W_dec, b_dec))
        d = _lrelu(_linear(d, W_dec0, b_dec0))
        d = _lrelu(_linear(d, W_dec1, b_dec1))
        d = _lrelu(_linear(d, W_dec2, b_dec2))
        return d
    decoder_q = decode(z_q)
    decoder_e = decode(z_e)
    return (z_e, z_q, z_q_neighbors, decoder_e, decoder_q)

if __name__ == "__main__":
    import jax
    _d = setup_inputs()
    print(jax.jit(kernel)(*tuple(_d.values())))

</pallas_src>

<mosaic_0001>
#map = affine_map<(d0, d1) -> (0, 0)>
#map1 = affine_map<(d0, d1) -> (0)>
module attributes {stable_mosaic.version = 14 : i64} {
  func.func @_sc_gather_body(%arg0: i32, %arg1: i32, %arg2: memref<264x128xf32, #tpu.memory_space<hbm>>, %arg3: memref<1024xi32, #tpu.memory_space<hbm>>, %arg4: memref<1024x128xf32, #tpu.memory_space<hbm>>, %arg5: memref<1024x128xf32, #tpu.memory_space<hbm>>, %arg6: memref<1024x128xf32, #tpu.memory_space<hbm>>, %arg7: memref<32xi32, #tpu.memory_space<vmem>>, %arg8: memref<96xi32, #tpu.memory_space<vmem>>, %arg9: memref<96x128xf32, #tpu.memory_space<vmem>>, %arg10: memref<!tpu.dma_semaphore, #tpu.memory_space<semaphore_mem>>) attributes {dimension_semantics = [#tpu.dimension_semantics<core_parallel>, #tpu.dimension_semantics<subcore_parallel>], iteration_bounds = array<i64: 2, 16>, scalar_prefetch = 0 : i64, scratch_operands = 4 : i64, tpu.core_type = #tpu.core_type<sc_vector_subcore>, window_params = [{transform_indices = #map}, {transform_indices = #map1}, {transform_indices = #map}, {transform_indices = #map}, {transform_indices = #map}]} {
    %mul3A = arith.constant 2 : i32
    %mul3A_0 = arith.muli %arg1, %mul3A : i32
    %add3A = arith.addi %mul3A_0, %arg0 : i32
    %mul3A_1 = arith.constant 32 : i32
    %mul3A_2 = arith.muli %add3A, %mul3A_1 : i32
    "tpu.region"() ({
      %run_scoped3A = tpu.sem_alloc : memref<!tpu.dma_semaphore, #tpu.memory_space<semaphore_mem>>
      %dma_start3A_147 = tpu.memref_slice %arg3[%mul3A_2] : memref<1024xi32, #tpu.memory_space<hbm>> -> memref<32xi32, #tpu.memory_space<hbm>>
      %dma_start3A_148 = tpu.memref_slice %arg3[%mul3A_2] : memref<1024xi32, #tpu.memory_space<hbm>> -> memref<32xi32, #tpu.memory_space<hbm>>
      tpu.enqueue_dma source(%dma_start3A_148 : memref<32xi32, #tpu.memory_space<hbm>>) target(%arg7 : memref<32xi32, #tpu.memory_space<vmem>>) target_semaphore(%run_scoped3A : memref<!tpu.dma_semaphore, #tpu.memory_space<semaphore_mem>>)
      %dma_wait3A_149 = tpu.memref_slice %arg3[%mul3A_2] : memref<1024xi32, #tpu.memory_space<hbm>> -> memref<32xi32, #tpu.memory_space<hbm>>
      %dma_wait3A_150 = tpu.memref_slice %arg3[%mul3A_2] : memref<1024xi32, #tpu.memory_space<hbm>> -> memref<32xi32, #tpu.memory_space<hbm>>
      tpu.wait_dma2 semaphore(%run_scoped3A : memref<!tpu.dma_semaphore, #tpu.memory_space<semaphore_mem>>) src(%dma_wait3A_150 : memref<32xi32, #tpu.memory_space<hbm>>) dst(%arg7 : memref<32xi32, #tpu.memory_space<vmem>>)
      tpu.yield
    }) : () -> ()
    %get3A = arith.constant 0 : index
    %get3A_3 = tpu.vector_load %arg7[%get3A] {strides = array<i32>} : memref<32xi32, #tpu.memory_space<vmem>>, vector<16xi32>,
    %get3A_4 = vector.shape_cast %get3A_3 : vector<16xi32> to vector<16xi32>
    %lt3A = arith.constant 240 : i32
    %lt3A_5 = vector.broadcast %lt3A : i32 to vector<16xi32>
    %lt3A_6 = arith.cmpi slt, %get3A_4, %lt3A_5 : vector<16xi32>
    %add3A_7 = arith.constant 16 : i32
    %add3A_8 = vector.broadcast %add3A_7 : i32 to vector<16xi32>
    %add3A_9 = arith.addi %get3A_4, %add3A_8 : vector<16xi32>
    %jit3A = arith.constant 256 : i32
    %broadcast_in_dim3A = vector.broadcast %jit3A : i32 to vector<16xi32>
    %select_n3A = arith.select %lt3A_6, %add3A_9, %broadcast_in_dim3A : vector<16xi1>, vector<16xi32>
    %swap3A = arith.constant 0 : index
    %swap3A_10 = tpu.vector_load %arg8[%swap3A] {strides = array<i32>} : memref<96xi32, #tpu.memory_space<vmem>>, vector<16xi32>,
    %swap3A_11 = vector.shape_cast %swap3A_10 : vector<16xi32> to vector<16xi32>
    %swap3A_12 = vector.shape_cast %select_n3A : vector<16xi32> to vector<16xi32>
    tpu.vector_store %arg8[%swap3A], %swap3A_12 {strides = array<i32>} : memref<96xi32, #tpu.memory_space<vmem>>, vector<16xi32>,
    %ge3A = arith.constant 16 : i32
    %ge3A_13 = vector.broadcast %ge3A : i32 to vector<16xi32>
    %ge3A_14 = arith.cmpi sge, %get3A_4, %ge3A_13 : vector<16xi32>
    %sub3A = arith.constant 16 : i32
    %sub3A_15 = vector.broadcast %sub3A : i32 to vector<16xi32>
    %sub3A_16 = arith.subi %get3A_4, %sub3A_15 : vector<16xi32>
    %jit3A_17 = arith.constant 256 : i32
    %broadcast_in_dim3A_18 = vector.broadcast %jit3A_17 : i32 to vector<16xi32>
    %select_n3A_19 = arith.select %ge3A_14, %sub3A_16, %broadcast_in_dim3A_18 : vector<16xi1>, vector<16xi32>
    %swap3A_20 = arith.constant 32 : index
    %swap3A_21 = tpu.vector_load %arg8[%swap3A_20] {strides = array<i32>} : memref<96xi32, #tpu.memory_space<vmem>>, vector<16xi32>,
    %swap3A_22 = vector.shape_cast %swap3A_21 : vector<16xi32> to vector<16xi32>
    %swap3A_23 = vector.shape_cast %select_n3A_19 : vector<16xi32> to vector<16xi32>
    tpu.vector_store %arg8[%swap3A_20], %swap3A_23 {strides = array<i32>} : memref<96xi32, #tpu.memory_space<vmem>>, vector<16xi32>,
    %and3A = arith.constant 15 : i32
    %and3A_24 = vector.broadcast %and3A : i32 to vector<16xi32>
    %and3A_25 = arith.andi %get3A_4, %and3A_24 : vector<16xi32>
    %gt3A = arith.constant 0 : i32
    %gt3A_26 = vector.broadcast %gt3A : i32 to vector<16xi32>
    %gt3A_27 = arith.cmpi sgt, %and3A_25, %gt3A_26 : vector<16xi32>
    %sub3A_28 = arith.constant 1 : i32
    %sub3A_29 = vector.broadcast %sub3A_28 : i32 to vector<16xi32>
    %sub3A_30 = arith.subi %get3A_4, %sub3A_29 : vector<16xi32>
    %jit3A_31 = arith.constant 256 : i32
    %broadcast_in_dim3A_32 = vector.broadcast %jit3A_31 : i32 to vector<16xi32>
    %select_n3A_33 = arith.select %gt3A_27, %sub3A_30, %broadcast_in_dim3A_32 : vector<16xi1>, vector<16xi32>
    %swap3A_34 = arith.constant 64 : index
    %swap3A_35 = tpu.vector_load %arg8[%swap3A_34] {strides = array<i32>} : memref<96xi32, #tpu.memory_space<vmem>>, vector<16xi32>,
    %swap3A_36 = vector.shape_cast %swap3A_35 : vector<16xi32> to vector<16xi32>
    %swap3A_37 = vector.shape_cast %select_n3A_33 : vector<16xi32> to vector<16xi32>
    tpu.vector_store %arg8[%swap3A_34], %swap3A_37 {strides = array<i32>} : memref<96xi32, #tpu.memory_space<vmem>>, vector<16xi32>,
    %get3A_38 = arith.constant 16 : index
    %get3A_39 = tpu.vector_load %arg7[%get3A_38] {strides = array<i32>} : memref<32xi32, #tpu.memory_space<vmem>>, vector<16xi32>,
    %get3A_40 = vector.shape_cast %get3A_39 : vector<16xi32> to vector<16xi32>
    %lt3A_41 = arith.constant 240 : i32
    %lt3A_42 = vector.broadcast %lt3A_41 : i32 to vector<16xi32>
    %lt3A_43 = arith.cmpi slt, %get3A_40, %lt3A_42 : vector<16xi32>
    %add3A_44 = arith.constant 16 : i32
    %add3A_45 = vector.broadcast %add3A_44 : i32 to vector<16xi32>
    %add3A_46 = arith.addi %get3A_40, %add3A_45 : vector<16xi32>
    %jit3A_47 = arith.constant 256 : i32
    %broadcast_in_dim3A_48 = vector.broadcast %jit3A_47 : i32 to vector<16xi32>
    %select_n3A_49 = arith.select %lt3A_43, %add3A_46, %broadcast_in_dim3A_48 : vector<16xi1>, vector<16xi32>
    %swap3A_50 = arith.constant 16 : index
    %swap3A_51 = tpu.vector_load %arg8[%swap3A_50] {strides = array<i32>} : memref<96xi32, #tpu.memory_space<vmem>>, vector<16xi32>,
    %swap3A_52 = vector.shape_cast %swap3A_51 : vector<16xi32> to vector<16xi32>
    %swap3A_53 = vector.shape_cast %select_n3A_49 : vector<16xi32> to vector<16xi32>
    tpu.vector_store %arg8[%swap3A_50], %swap3A_53 {strides = array<i32>} : memref<96xi32, #tpu.memory_space<vmem>>, vector<16xi32>,
    %ge3A_54 = arith.constant 16 : i32
    %ge3A_55 = vector.broadcast %ge3A_54 : i32 to vector<16xi32>
    %ge3A_56 = arith.cmpi sge, %get3A_40, %ge3A_55 : vector<16xi32>
    %sub3A_57 = arith.constant 16 : i32
    %sub3A_58 = vector.broadcast %sub3A_57 : i32 to vector<16xi32>
    %sub3A_59 = arith.subi %get3A_40, %sub3A_58 : vector<16xi32>
    %jit3A_60 = arith.constant 256 : i32
    %broadcast_in_dim3A_61 = vector.broadcast %jit3A_60 : i32 to vector<16xi32>
    %select_n3A_62 = arith.select %ge3A_56, %sub3A_59, %broadcast_in_dim3A_61 : vector<16xi1>, vector<16xi32>
    %swap3A_63 = arith.constant 48 : index
    %swap3A_64 = tpu.vector_load %arg8[%swap3A_63] {strides = array<i32>} : memref<96xi32, #tpu.memory_space<vmem>>, vector<16xi32>,
    %swap3A_65 = vector.shape_cast %swap3A_64 : vector<16xi32> to vector<16xi32>
    %swap3A_66 = vector.shape_cast %select_n3A_62 : vector<16xi32> to vector<16xi32>
    tpu.vector_store %arg8[%swap3A_63], %swap3A_66 {strides = array<i32>} : memref<96xi32, #tpu.memory_space<vmem>>, vector<16xi32>,
    %and3A_67 = arith.constant 15 : i32
    %and3A_68 = vector.broadcast %and3A_67 : i32 to vector<16xi32>
    %and3A_69 = arith.andi %get3A_40, %and3A_68 : vector<16xi32>
    %gt3A_70 = arith.constant 0 : i32
    %gt3A_71 = vector.broadcast %gt3A_70 : i32 to vector<16xi32>
    %gt3A_72 = arith.cmpi sgt, %and3A_69, %gt3A_71 : vector<16xi32>
    %sub3A_73 = arith.constant 1 : i32
    %sub3A_74 = vector.broadcast %sub3A_73 : i32 to vector<16xi32>
    %sub3A_75 = arith.subi %get3A_40, %sub3A_74 : vector<16xi32>
    %jit3A_76 = arith.constant 256 : i32
    %broadcast_in_dim3A_77 = vector.broadcast %jit3A_76 : i32 to vector<16xi32>
    %select_n3A_78 = arith.select %gt3A_72, %sub3A_75, %broadcast_in_dim3A_77 : vector<16xi1>, vector<16xi32>
    %swap3A_79 = arith.constant 80 : index
    %swap3A_80 = tpu.vector_load %arg8[%swap3A_79] {strides = array<i32>} : memref<96xi32, #tpu.memory_space<vmem>>, vector<16xi32>,
    %swap3A_81 = vector.shape_cast %swap3A_80 : vector<16xi32> to vector<16xi32>
    %swap3A_82 = vector.shape_cast %select_n3A_78 : vector<16xi32> to vector<16xi32>
    tpu.vector_store %arg8[%swap3A_79], %swap3A_82 {strides = array<i32>} : memref<96xi32, #tpu.memory_space<vmem>>, vector<16xi32>,
    %dma_start3A = arith.constant 0 : i32
    %dma_start3A_83 = arith.constant 0 : i32
    %dma_start3A_84 = tpu.memref_slice %arg2[%dma_start3A, %dma_start3A_83] : memref<264x128xf32, #tpu.memory_space<hbm>> -> memref<264x128xf32, #tpu.memory_space<hbm>>
    tpu.enqueue_indirect_dma source(%dma_start3A_84 : memref<264x128xf32, #tpu.memory_space<hbm>>) target(%arg9 : memref<96x128xf32, #tpu.memory_space<vmem>>) offsets(%arg8 : memref<96xi32, #tpu.memory_space<vmem>>) semaphore(%arg10 : memref<!tpu.dma_semaphore, #tpu.memory_space<semaphore_mem>>)
    %dma_wait3A = arith.constant 0 : i32
    %dma_wait3A_85 = arith.constant 0 : i32
    %dma_wait3A_86 = tpu.memref_slice %arg2[%dma_wait3A, %dma_wait3A_85] : memref<264x128xf32, #tpu.memory_space<hbm>> -> memref<264x128xf32, #tpu.memory_space<hbm>>
    tpu.wait_indirect_dma semaphore(%arg10 : memref<!tpu.dma_semaphore, #tpu.memory_space<semaphore_mem>>) src(%dma_wait3A_86 : memref<264x128xf32, #tpu.memory_space<hbm>>) dst(%arg9 : memref<96x128xf32, #tpu.memory_space<vmem>>)
    %dma_start3A_87 = arith.constant 0 : i32
    %dma_start3A_88 = arith.constant 0 : i32
    %dma_start3A_89 = tpu.memref_slice %arg9[%dma_start3A_87, %dma_start3A_88] : memref<96x128xf32, #tpu.memory_space<vmem>> -> memref<32x128xf32, #tpu.memory_space<vmem>>
    %dma_start3A_90 = arith.constant 0 : i32
    %dma_start3A_91 = tpu.memref_slice %arg4[%mul3A_2, %dma_start3A_90] : memref<1024x128xf32, #tpu.memory_space<hbm>> -> memref<32x128xf32, #tpu.memory_space<hbm>>
    %dma_start3A_92 = arith.constant 0 : i32
    %dma_start3A_93 = tpu.memref_slice %arg4[%mul3A_2, %dma_start3A_92] : memref<1024x128xf32, #tpu.memory_space<hbm>> -> memref<32x128xf32, #tpu.memory_space<hbm>>
    %dma_start3A_94 = arith.constant 0 : i32
    %dma_start3A_95 = arith.constant 0 : i32
    %dma_start3A_96 = tpu.memref_slice %arg9[%dma_start3A_94, %dma_start3A_95] : memref<96x128xf32, #tpu.memory_space<vmem>> -> memref<32x128xf32, #tpu.memory_space<vmem>>
    tpu.enqueue_dma source(%dma_start3A_96 : memref<32x128xf32, #tpu.memory_space<vmem>>) target(%dma_start3A_93 : memref<32x128xf32, #tpu.memory_space<hbm>>) target_semaphore(%arg10 : memref<!tpu.dma_semaphore, #tpu.memory_space<semaphore_mem>>)
    %dma_start3A_97 = arith.constant 32 : i32
    %dma_start3A_98 = arith.constant 0 : i32
    %dma_start3A_99 = tpu.memref_slice %arg9[%dma_start3A_97, %dma_start3A_98] : memref<96x128xf32, #tpu.memory_space<vmem>> -> memref<32x128xf32, #tpu.memory_space<vmem>>
    %dma_start3A_100 = arith.constant 0 : i32
    %dma_start3A_101 = tpu.memref_slice %arg5[%mul3A_2, %dma_start3A_100] : memref<1024x128xf32, #tpu.memory_space<hbm>> -> memref<32x128xf32, #tpu.memory_space<hbm>>
    %dma_start3A_102 = arith.constant 0 : i32
    %dma_start3A_103 = tpu.memref_slice %arg5[%mul3A_2, %dma_start3A_102] : memref<1024x128xf32, #tpu.memory_space<hbm>> -> memref<32x128xf32, #tpu.memory_space<hbm>>
    %dma_start3A_104 = arith.constant 32 : i32
    %dma_start3A_105 = arith.constant 0 : i32
    %dma_start3A_106 = tpu.memref_slice %arg9[%dma_start3A_104, %dma_start3A_105] : memref<96x128xf32, #tpu.memory_space<vmem>> -> memref<32x128xf32, #tpu.memory_space<vmem>>
    tpu.enqueue_dma source(%dma_start3A_106 : memref<32x128xf32, #tpu.memory_space<vmem>>) target(%dma_start3A_103 : memref<32x128xf32, #tpu.memory_space<hbm>>) target_semaphore(%arg10 : memref<!tpu.dma_semaphore, #tpu.memory_space<semaphore_mem>>)
    %dma_start3A_107 = arith.constant 64 : i32
    %dma_start3A_108 = arith.constant 0 : i32
    %dma_start3A_109 = tpu.memref_slice %arg9[%dma_start3A_107, %dma_start3A_108] : memref<96x128xf32, #tpu.memory_space<vmem>> -> memref<32x128xf32, #tpu.memory_space<vmem>>
    %dma_start3A_110 = arith.constant 0 : i32
    %dma_start3A_111 = tpu.memref_slice %arg6[%mul3A_2, %dma_start3A_110] : memref<1024x128xf32, #tpu.memory_space<hbm>> -> memref<32x128xf32, #tpu.memory_space<hbm>>
    %dma_start3A_112 = arith.constant 0 : i32
    %dma_start3A_113 = tpu.memref_slice %arg6[%mul3A_2, %dma_start3A_112] : memref<1024x128xf32, #tpu.memory_space<hbm>> -> memref<32x128xf32, #tpu.memory_space<hbm>>
    %dma_start3A_114 = arith.constant 64 : i32
    %dma_start3A_115 = arith.constant 0 : i32
    %dma_start3A_116 = tpu.memref_slice %arg9[%dma_start3A_114, %dma_start3A_115] : memref<96x128xf32, #tpu.memory_space<vmem>> -> memref<32x128xf32, #tpu.memory_space<vmem>>
    tpu.enqueue_dma source(%dma_start3A_116 : memref<32x128xf32, #tpu.memory_space<vmem>>) target(%dma_start3A_113 : memref<32x128xf32, #tpu.memory_space<hbm>>) target_semaphore(%arg10 : memref<!tpu.dma_semaphore, #tpu.memory_space<semaphore_mem>>)
    %dma_wait3A_117 = arith.constant 0 : i32
    %dma_wait3A_118 = arith.constant 0 : i32
    %dma_wait3A_119 = tpu.memref_slice %arg9[%dma_wait3A_117, %dma_wait3A_118] : memref<96x128xf32, #tpu.memory_space<vmem>> -> memref<32x128xf32, #tpu.memory_space<vmem>>
    %dma_wait3A_120 = arith.constant 0 : i32
    %dma_wait3A_121 = tpu.memref_slice %arg4[%mul3A_2, %dma_wait3A_120] : memref<1024x128xf32, #tpu.memory_space<hbm>> -> memref<32x128xf32, #tpu.memory_space<hbm>>
    %dma_wait3A_122 = arith.constant 0 : i32
    %dma_wait3A_123 = tpu.memref_slice %arg4[%mul3A_2, %dma_wait3A_122] : memref<1024x128xf32, #tpu.memory_space<hbm>> -> memref<32x128xf32, #tpu.memory_space<hbm>>
    %dma_wait3A_124 = arith.constant 0 : i32
    %dma_wait3A_125 = arith.constant 0 : i32
    %dma_wait3A_126 = tpu.memref_slice %arg9[%dma_wait3A_124, %dma_wait3A_125] : memref<96x128xf32, #tpu.memory_space<vmem>> -> memref<32x128xf32, #tpu.memory_space<vmem>>
    tpu.wait_dma2 semaphore(%arg10 : memref<!tpu.dma_semaphore, #tpu.memory_space<semaphore_mem>>) src(%dma_wait3A_126 : memref<32x128xf32, #tpu.memory_space<vmem>>) dst(%dma_wait3A_123 : memref<32x128xf32, #tpu.memory_space<hbm>>)
    %dma_wait3A_127 = arith.constant 32 : i32
    %dma_wait3A_128 = arith.constant 0 : i32
    %dma_wait3A_129 = tpu.memref_slice %arg9[%dma_wait3A_127, %dma_wait3A_128] : memref<96x128xf32, #tpu.memory_space<vmem>> -> memref<32x128xf32, #tpu.memory_space<vmem>>
    %dma_wait3A_130 = arith.constant 0 : i32
    %dma_wait3A_131 = tpu.memref_slice %arg5[%mul3A_2, %dma_wait3A_130] : memref<1024x128xf32, #tpu.memory_space<hbm>> -> memref<32x128xf32, #tpu.memory_space<hbm>>
    %dma_wait3A_132 = arith.constant 0 : i32
    %dma_wait3A_133 = tpu.memref_slice %arg5[%mul3A_2, %dma_wait3A_132] : memref<1024x128xf32, #tpu.memory_space<hbm>> -> memref<32x128xf32, #tpu.memory_space<hbm>>
    %dma_wait3A_134 = arith.constant 32 : i32
    %dma_wait3A_135 = arith.constant 0 : i32
    %dma_wait3A_136 = tpu.memref_slice %arg9[%dma_wait3A_134, %dma_wait3A_135] : memref<96x128xf32, #tpu.memory_space<vmem>> -> memref<32x128xf32, #tpu.memory_space<vmem>>
    tpu.wait_dma2 semaphore(%arg10 : memref<!tpu.dma_semaphore, #tpu.memory_space<semaphore_mem>>) src(%dma_wait3A_136 : memref<32x128xf32, #tpu.memory_space<vmem>>) dst(%dma_wait3A_133 : memref<32x128xf32, #tpu.memory_space<hbm>>)
    %dma_wait3A_137 = arith.constant 64 : i32
    %dma_wait3A_138 = arith.constant 0 : i32
    %dma_wait3A_139 = tpu.memref_slice %arg9[%dma_wait3A_137, %dma_wait3A_138] : memref<96x128xf32, #tpu.memory_space<vmem>> -> memref<32x128xf32, #tpu.memory_space<vmem>>
    %dma_wait3A_140 = arith.constant 0 : i32
    %dma_wait3A_141 = tpu.memref_slice %arg6[%mul3A_2, %dma_wait3A_140] : memref<1024x128xf32, #tpu.memory_space<hbm>> -> memref<32x128xf32, #tpu.memory_space<hbm>>
    %dma_wait3A_142 = arith.constant 0 : i32
    %dma_wait3A_143 = tpu.memref_slice %arg6[%mul3A_2, %dma_wait3A_142] : memref<1024x128xf32, #tpu.memory_space<hbm>> -> memref<32x128xf32, #tpu.memory_space<hbm>>
    %dma_wait3A_144 = arith.constant 64 : i32
    %dma_wait3A_145 = arith.constant 0 : i32
    %dma_wait3A_146 = tpu.memref_slice %arg9[%dma_wait3A_144, %dma_wait3A_145] : memref<96x128xf32, #tpu.memory_space<vmem>> -> memref<32x128xf32, #tpu.memory_space<vmem>>
    tpu.wait_dma2 semaphore(%arg10 : memref<!tpu.dma_semaphore, #tpu.memory_space<semaphore_mem>>) src(%dma_wait3A_146 : memref<32x128xf32, #tpu.memory_space<vmem>>) dst(%dma_wait3A_143 : memref<32x128xf32, #tpu.memory_space<hbm>>)
    return
  }
}

module attributes {stable_mosaic.version = 14 : i64} {
  func.func @_enc_body(%arg0: memref<1024x1xf32, #tpu.memory_space<vmem>>, %arg1: memref<1024x64xf32, #tpu.memory_space<vmem>>, %arg2: memref<256x64xf32, #tpu.memory_space<vmem>>, %arg3: memref<64x256xf32, #tpu.memory_space<vmem>>, %arg4: memref<1x10xf32, #tpu.memory_space<vmem>>, %arg5: memref<1x10xf32, #tpu.memory_space<vmem>>, %arg6: memref<10x50xf32, #tpu.memory_space<vmem>>, %arg7: memref<1x50xf32, #tpu.memory_space<vmem>>, %arg8: memref<50x64xf32, #tpu.memory_space<vmem>>, %arg9: memref<1x64xf32, #tpu.memory_space<vmem>>, %arg10: memref<50x64xf32, #tpu.memory_space<vmem>>, %arg11: memref<1x64xf32, #tpu.memory_space<vmem>>, %arg12: memref<1024x64xf32, #tpu.memory_space<vmem>>, %arg13: memref<8x128xi32, #tpu.memory_space<vmem>>, %arg14: memref<1024x64xf32, #tpu.memory_space<vmem>>, %arg15: memref<264x128xf32, #tpu.memory_space<vmem>>) attributes {dimension_semantics = [], scalar_prefetch = 0 : i64, scratch_operands = 0 : i64, tpu.core_type = #tpu.core_type<tc>} {
    %get3A = arith.constant 0 : index
    %get3A_0 = arith.constant 0 : index
    %get3A_1 = vector.load %arg0[%get3A, %get3A_0] : memref<1024x1xf32, #tpu.memory_space<vmem>>, vector<1024x1xf32>
    %get3A_2 = arith.constant 0 : index
    %get3A_3 = arith.constant 0 : index
    %get3A_4 = vector.load %arg1[%get3A_2, %get3A_3] : memref<1024x64xf32, #tpu.memory_space<vmem>>, vector<1024x64xf32>
    %get3A_5 = arith.constant 0 : index
    %get3A_6 = arith.constant 0 : index
    %get3A_7 = vector.load %arg2[%get3A_5, %get3A_6] : memref<256x64xf32, #tpu.memory_space<vmem>>, vector<256x64xf32>
    %broadcast_in_dim3A = arith.constant 0.000000e+00 : f32
    %broadcast_in_dim3A_8 = vector.broadcast %broadcast_in_dim3A : f32 to vector<256x64xf32>
    %broadcast_in_dim3A_9 = arith.constant 0.000000e+00 : f32
    %broadcast_in_dim3A_10 = vector.broadcast %broadcast_in_dim3A_9 : f32 to vector<8x128xf32>
    %concatenate3A = tpu.concatenate %get3A_7, %broadcast_in_dim3A_8 in 1 : vector<256x64xf32>, vector<256x64xf32> -> vector<256x128xf32>
    %concatenate3A_11 = tpu.concatenate %concatenate3A, %broadcast_in_dim3A_10 in 0 : vector<256x128xf32>, vector<8x128xf32> -> vector<264x128xf32>
    %swap3A = arith.constant 0 : index
    %swap3A_12 = arith.constant 0 : index
    %swap3A_13 = vector.load %arg15[%swap3A, %swap3A_12] : memref<264x128xf32, #tpu.memory_space<vmem>>, vector<264x128xf32>
    tpu.vector_store %arg15[%swap3A, %swap3A_12], %concatenate3A_11 {strides = array<i32>} : memref<264x128xf32, #tpu.memory_space<vmem>>, vector<264x128xf32>,
    %get3A_14 = arith.constant 0 : index
    %get3A_15 = arith.constant 0 : index
    %get3A_16 = vector.load %arg4[%get3A_14, %get3A_15] : memref<1x10xf32, #tpu.memory_space<vmem>>, vector<1x10xf32>
    %mul3A = vector.broadcast %get3A_1 : vector<1024x1xf32> to vector<1024x10xf32>
    %mul3A_17 = vector.broadcast %get3A_16 : vector<1x10xf32> to vector<1024x10xf32>
    %mul3A_18 = arith.mulf %mul3A, %mul3A_17 : vector<1024x10xf32>
    %get3A_19 = arith.constant 0 : index
    %get3A_20 = arith.constant 0 : index
    %get3A_21 = vector.load %arg5[%get3A_19, %get3A_20] : memref<1x10xf32, #tpu.memory_space<vmem>>, vector<1x10xf32>
    %add3A = vector.broadcast %get3A_21 : vector<1x10xf32> to vector<1024x10xf32>
    %add3A_22 = arith.addf %mul3A_18, %add3A : vector<1024x10xf32>
    %gt3A = arith.constant 0.000000e+00 : f32
    %gt3A_23 = vector.broadcast %gt3A : f32 to vector<1024x10xf32>
    %gt3A_24 = arith.cmpf ogt, %add3A_22, %gt3A_23 : vector<1024x10xf32>
    %mul3A_25 = arith.constant 0.00999999977 : f32
    %mul3A_26 = vector.broadcast %mul3A_25 : f32 to vector<1024x10xf32>
    %mul3A_27 = arith.mulf %mul3A_26, %add3A_22 : vector<1024x10xf32>
    %select_n3A = arith.select %gt3A_24, %add3A_22, %mul3A_27 : vector<1024x10xi1>, vector<1024x10xf32>
    %get3A_28 = arith.constant 0 : index
    %get3A_29 = arith.constant 0 : index
    %get3A_30 = vector.load %arg6[%get3A_28, %get3A_29] : memref<10x50xf32, #tpu.memory_space<vmem>>, vector<10x50xf32>
    %dot_general3A = arith.constant dense<0.000000e+00> : vector<1024x50xf32>
    %dot_general3A_31 = tpu.matmul %select_n3A, %get3A_30, %dot_general3A {dimension_numbers = #tpu.dot_dimension_numbers<[1], [0], [0], [1], [0, 0, 1, 1], [], []>, transpose_lhs_hint = false} : vector<1024x10xf32>, vector<10x50xf32>, vector<1024x50xf32> -> vector<1024x50xf32>
    %get3A_32 = arith.constant 0 : index
    %get3A_33 = arith.constant 0 : index
    %get3A_34 = vector.load %arg7[%get3A_32, %get3A_33] : memref<1x50xf32, #tpu.memory_space<vmem>>, vector<1x50xf32>
    %add3A_35 = vector.broadcast %get3A_34 : vector<1x50xf32> to vector<1024x50xf32>
    %add3A_36 = arith.addf %dot_general3A_31, %add3A_35 : vector<1024x50xf32>
    %gt3A_37 = arith.constant 0.000000e+00 : f32
    %gt3A_38 = vector.broadcast %gt3A_37 : f32 to vector<1024x50xf32>
    %gt3A_39 = arith.cmpf ogt, %add3A_36, %gt3A_38 : vector<1024x50xf32>
    %mul3A_40 = arith.constant 0.00999999977 : f32
    %mul3A_41 = vector.broadcast %mul3A_40 : f32 to vector<1024x50xf32>
    %mul3A_42 = arith.mulf %mul3A_41, %add3A_36 : vector<1024x50xf32>
    %select_n3A_43 = arith.select %gt3A_39, %add3A_36, %mul3A_42 : vector<1024x50xi1>, vector<1024x50xf32>
    %get3A_44 = arith.constant 0 : index
    %get3A_45 = arith.constant 0 : index
    %get3A_46 = vector.load %arg8[%get3A_44, %get3A_45] : memref<50x64xf32, #tpu.memory_space<vmem>>, vector<50x64xf32>
    %dot_general3A_47 = arith.constant dense<0.000000e+00> : vector<1024x64xf32>
    %dot_general3A_48 = tpu.matmul %select_n3A_43, %get3A_46, %dot_general3A_47 {dimension_numbers = #tpu.dot_dimension_numbers<[1], [0], [0], [1], [0, 0, 1, 1], [], []>, transpose_lhs_hint = false} : vector<1024x50xf32>, vector<50x64xf32>, vector<1024x64xf32> -> vector<1024x64xf32>
    %get3A_49 = arith.constant 0 : index
    %get3A_50 = arith.constant 0 : index
    %get3A_51 = vector.load %arg9[%get3A_49, %get3A_50] : memref<1x64xf32, #tpu.memory_space<vmem>>, vector<1x64xf32>
    %add3A_52 = vector.broadcast %get3A_51 : vector<1x64xf32> to vector<1024x64xf32>
    %add3A_53 = arith.addf %dot_general3A_48, %add3A_52 : vector<1024x64xf32>
    %get3A_54 = arith.constant 0 : index
    %get3A_55 = arith.constant 0 : index
    %get3A_56 = vector.load %arg10[%get3A_54, %get3A_55] : memref<50x64xf32, #tpu.memory_space<vmem>>, vector<50x64xf32>
    %dot_general3A_57 = arith.constant dense<0.000000e+00> : vector<1024x64xf32>
    %dot_general3A_58 = tpu.matmul %select_n3A_43, %get3A_56, %dot_general3A_57 {dimension_numbers = #tpu.dot_dimension_numbers<[1], [0], [0], [1], [0, 0, 1, 1], [], []>, transpose_lhs_hint = false} : vector<1024x50xf32>, vector<50x64xf32>, vector<1024x64xf32> -> vector<1024x64xf32>
    %get3A_59 = arith.constant 0 : index
    %get3A_60 = arith.constant 0 : index
    %get3A_61 = vector.load %arg11[%get3A_59, %get3A_60] : memref<1x64xf32, #tpu.memory_space<vmem>>, vector<1x64xf32>
    %add3A_62 = vector.broadcast %get3A_61 : vector<1x64xf32> to vector<1024x64xf32>
    %add3A_63 = arith.addf %dot_general3A_58, %add3A_62 : vector<1024x64xf32>
    %mul3A_64 = arith.constant 5.000000e-01 : f32
    %mul3A_65 = vector.broadcast %mul3A_64 : f32 to vector<1024x64xf32>
    %mul3A_66 = arith.mulf %mul3A_65, %add3A_63 : vector<1024x64xf32>
    %exp3A = math.exp %mul3A_66 : vector<1024x64xf32>
    %mul3A_67 = arith.mulf %get3A_4, %exp3A : vector<1024x64xf32>
    %add3A_68 = arith.addf %add3A_53, %mul3A_67 : vector<1024x64xf32>
    %swap3A_69 = arith.constant 0 : index
    %swap3A_70 = arith.constant 0 : index
    %swap3A_71 = vector.load %arg12[%swap3A_69, %swap3A_70] : memref<1024x64xf32, #tpu.memory_space<vmem>>, vector<1024x64xf32>
    tpu.vector_store %arg12[%swap3A_69, %swap3A_70], %add3A_68 {strides = array<i32>} : memref<1024x64xf32, #tpu.memory_space<vmem>>, vector<1024x64xf32>,
    %get3A_72 = arith.constant 0 : index
    %get3A_73 = arith.constant 0 : index
    %get3A_74 = vector.load %arg3[%get3A_72, %get3A_73] : memref<64x256xf32, #tpu.memory_space<vmem>>, vector<64x256xf32>
    %mul3A_75 = arith.mulf %get3A_74, %get3A_74 : vector<64x256xf32>
    %reduce_sum3A = arith.constant dense<0.000000e+00> : vector<256xf32>
    %reduce_sum3A_76 = vector.multi_reduction <add>, %mul3A_75, %reduce_sum3A [0] : vector<64x256xf32> to vector<256xf32>
    %broadcast_in_dim3A_77 = vector.shape_cast %reduce_sum3A_76 : vector<256xf32> to vector<1x256xf32>
    %dot_general3A_78 = arith.constant dense<0.000000e+00> : vector<1024x256xf32>
    %dot_general3A_79 = tpu.matmul %add3A_68, %get3A_74, %dot_general3A_78 {dimension_numbers = #tpu.dot_dimension_numbers<[1], [0], [0], [1], [0, 0, 1, 1], [], []>, precision = #tpu.contract_precision<fp32>, transpose_lhs_hint = false} : vector<1024x64xf32>, vector<64x256xf32>, vector<1024x256xf32> -> vector<1024x256xf32>
    %mul3A_80 = arith.constant 2.000000e+00 : f32
    %mul3A_81 = vector.broadcast %mul3A_80 : f32 to vector<1024x256xf32>
    %mul3A_82 = arith.mulf %mul3A_81, %dot_general3A_79 : vector<1024x256xf32>
    %sub3A = vector.broadcast %broadcast_in_dim3A_77 : vector<1x256xf32> to vector<1024x256xf32>
    %sub3A_83 = arith.subf %sub3A, %mul3A_82 : vector<1024x256xf32>
    %iota3A = tpu.iota {dimensions = array<i32: 1>} : vector<1024x256xi32>
    %reduce_min3A = arith.constant dense<0x7F800000> : vector<1024xf32>
    %reduce_min3A_84 = vector.multi_reduction <minimumf>, %sub3A_83, %reduce_min3A [1] : vector<1024x256xf32> to vector<1024xf32>
    %broadcast_in_dim3A_85 = vector.shape_cast %reduce_min3A_84 : vector<1024xf32> to vector<1024x1xf32>
    %eq3A = vector.broadcast %broadcast_in_dim3A_85 : vector<1024x1xf32> to vector<1024x256xf32>
    %eq3A_86 = arith.cmpf oeq, %sub3A_83, %eq3A : vector<1024x256xf32>
    %jit3A = arith.constant 512 : i32
    %broadcast_in_dim3A_87 = vector.broadcast %jit3A : i32 to vector<1024x256xi32>
    %select_n3A_88 = arith.select %eq3A_86, %iota3A, %broadcast_in_dim3A_87 : vector<1024x256xi1>, vector<1024x256xi32>
    %reduce_min3A_89 = arith.constant dense<2147483647> : vector<1024xi32>
    %reduce_min3A_90 = vector.multi_reduction <minsi>, %select_n3A_88, %reduce_min3A_89 [1] : vector<1024x256xi32> to vector<1024xi32>
    %broadcast_in_dim3A_91 = vector.shape_cast %reduce_min3A_90 : vector<1024xi32> to vector<1024x1xi32>
    %eq3A_92 = vector.broadcast %broadcast_in_dim3A_91 : vector<1024x1xi32> to vector<1024x256xi32>
    %eq3A_93 = arith.cmpi eq, %iota3A, %eq3A_92 : vector<1024x256xi32>
    %jit3A_94 = arith.constant 3.400000e+38 : f32
    %broadcast_in_dim3A_95 = vector.broadcast %jit3A_94 : f32 to vector<1024x256xf32>
    %select_n3A_96 = arith.select %eq3A_93, %broadcast_in_dim3A_95, %sub3A_83 : vector<1024x256xi1>, vector<1024x256xf32>
    %reduce_min3A_97 = arith.constant dense<0x7F800000> : vector<1024xf32>
    %reduce_min3A_98 = vector.multi_reduction <minimumf>, %select_n3A_96, %reduce_min3A_97 [1] : vector<1024x256xf32> to vector<1024xf32>
    %broadcast_in_dim3A_99 = vector.shape_cast %reduce_min3A_98 : vector<1024xf32> to vector<1024x1xf32>
    %eq3A_100 = vector.broadcast %broadcast_in_dim3A_99 : vector<1024x1xf32> to vector<1024x256xf32>
    %eq3A_101 = arith.cmpf oeq, %select_n3A_96, %eq3A_100 : vector<1024x256xf32>
    %jit3A_102 = arith.constant 512 : i32
    %broadcast_in_dim3A_103 = vector.broadcast %jit3A_102 : i32 to vector<1024x256xi32>
    %select_n3A_104 = arith.select %eq3A_101, %iota3A, %broadcast_in_dim3A_103 : vector<1024x256xi1>, vector<1024x256xi32>
    %reduce_min3A_105 = arith.constant dense<2147483647> : vector<1024xi32>
    %reduce_min3A_106 = vector.multi_reduction <minsi>, %select_n3A_104, %reduce_min3A_105 [1] : vector<1024x256xi32> to vector<1024xi32>
    %broadcast_in_dim3A_107 = vector.shape_cast %reduce_min3A_90 : vector<1024xi32> to vector<1024x1xi32>
    %eq3A_108 = vector.broadcast %broadcast_in_dim3A_107 : vector<1024x1xi32> to vector<1024x256xi32>
    %eq3A_109 = arith.cmpi eq, %iota3A, %eq3A_108 : vector<1024x256xi32>
    %convert_element_type3A = arith.extui %eq3A_109 : vector<1024x256xi1> to vector<1024x256xi32>
    %convert_element_type3A_110 = arith.sitofp %convert_element_type3A : vector<1024x256xi32> to vector<1024x256xf32>
    %broadcast_in_dim3A_111 = vector.shape_cast %reduce_min3A_106 : vector<1024xi32> to vector<1024x1xi32>
    %eq3A_112 = vector.broadcast %broadcast_in_dim3A_111 : vector<1024x1xi32> to vector<1024x256xi32>
    %eq3A_113 = arith.cmpi eq, %iota3A, %eq3A_112 : vector<1024x256xi32>
    %convert_element_type3A_114 = arith.extui %eq3A_113 : vector<1024x256xi1> to vector<1024x256xi32>
    %convert_element_type3A_115 = arith.sitofp %convert_element_type3A_114 : vector<1024x256xi32> to vector<1024x256xf32>
    %concatenate3A_116 = tpu.concatenate %convert_element_type3A_110, %convert_element_type3A_115 in 0 : vector<1024x256xf32>, vector<1024x256xf32> -> vector<2048x256xf32>
    %dot_general3A_117 = arith.constant dense<0.000000e+00> : vector<2048x64xf32>
    %dot_general3A_118 = tpu.matmul %concatenate3A_116, %get3A_7, %dot_general3A_117 {dimension_numbers = #tpu.dot_dimension_numbers<[1], [0], [0], [1], [0, 0, 1, 1], [], []>, precision = #tpu.contract_precision<fp32>, transpose_lhs_hint = false} : vector<2048x256xf32>, vector<256x64xf32>, vector<2048x64xf32> -> vector<2048x64xf32>
    %slice3A = vector.extract_strided_slice %dot_general3A_118 {offsets = [0, 0], sizes = [1024, 64], strides = [1, 1]} : vector<2048x64xf32> to vector<1024x64xf32>
    %slice3A_119 = vector.extract_strided_slice %dot_general3A_118 {offsets = [1024, 0], sizes = [1024, 64], strides = [1, 1]} : vector<2048x64xf32> to vector<1024x64xf32>
    %sub3A_120 = arith.subf %slice3A, %add3A_68 : vector<1024x64xf32>
    %sub3A_121 = arith.subf %slice3A, %add3A_68 : vector<1024x64xf32>
    %mul3A_122 = arith.mulf %sub3A_120, %sub3A_121 : vector<1024x64xf32>
    %reduce_sum3A_123 = arith.constant dense<0.000000e+00> : vector<1024xf32>
    %reduce_sum3A_124 = vector.multi_reduction <add>, %mul3A_122, %reduce_sum3A_123 [1] : vector<1024x64xf32> to vector<1024xf32>
    %sub3A_125 = arith.subf %slice3A_119, %add3A_68 : vector<1024x64xf32>
    %sub3A_126 = arith.subf %slice3A_119, %add3A_68 : vector<1024x64xf32>
    %mul3A_127 = arith.mulf %sub3A_125, %sub3A_126 : vector<1024x64xf32>
    %reduce_sum3A_128 = arith.constant dense<0.000000e+00> : vector<1024xf32>
    %reduce_sum3A_129 = vector.multi_reduction <add>, %mul3A_127, %reduce_sum3A_128 [1] : vector<1024x64xf32> to vector<1024xf32>
    %lt3A = arith.cmpf olt, %reduce_sum3A_129, %reduce_sum3A_124 : vector<1024xf32>
    %eq3A_130 = arith.cmpf oeq, %reduce_sum3A_129, %reduce_sum3A_124 : vector<1024xf32>
    %lt3A_131 = arith.cmpi slt, %reduce_min3A_106, %reduce_min3A_90 : vector<1024xi32>
    %and3A = arith.andi %eq3A_130, %lt3A_131 : vector<1024xi1>
    %or3A = arith.ori %lt3A, %and3A : vector<1024xi1>
    %select_n3A_132 = arith.select %or3A, %reduce_min3A_106, %reduce_min3A_90 : vector<1024xi1>, vector<1024xi32>
    %reshape3A = vector.shape_cast %select_n3A_132 : vector<1024xi32> to vector<8x128xi32>
    %swap3A_133 = arith.constant 0 : index
    %swap3A_134 = arith.constant 0 : index
    %swap3A_135 = vector.load %arg13[%swap3A_133, %swap3A_134] : memref<8x128xi32, #tpu.memory_space<vmem>>, vector<8x128xi32>
    tpu.vector_store %arg13[%swap3A_133, %swap3A_134], %reshape3A {strides = array<i32>} : memref<8x128xi32, #tpu.memory_space<vmem>>, vector<8x128xi32>,
    %broadcast_in_dim3A_136 = vector.shape_cast %or3A : vector<1024xi1> to vector<1024x1xi1>
    %broadcast_in_dim3A_137 = vector.shape_cast %broadcast_in_dim3A_136 : vector<1024x1xi1> to vector<1024x1xi1>
    %broadcast_in_dim3A_138 = vector.broadcast %broadcast_in_dim3A_137 : vector<1024x1xi1> to vector<1024x64xi1>
    %select_n3A_139 = arith.select %broadcast_in_dim3A_138, %slice3A_119, %slice3A : vector<1024x64xi1>, vector<1024x64xf32>
    %swap3A_140 = arith.constant 0 : index
    %swap3A_141 = arith.constant 0 : index
    %swap3A_142 = vector.load %arg14[%swap3A_140, %swap3A_141] : memref<1024x64xf32, #tpu.memory_space<vmem>>, vector<1024x64xf32>
    tpu.vector_store %arg14[%swap3A_140, %swap3A_141], %select_n3A_139 {strides = array<i32>} : memref<1024x64xf32, #tpu.memory_space<vmem>>, vector<1024x64xf32>,
    return
  }
}

module attributes {stable_mosaic.version = 14 : i64} {
  func.func @_dec_body(%arg0: memref<1024x64xf32, #tpu.memory_space<vmem>>, %arg1: memref<1024x64xf32, #tpu.memory_space<vmem>>, %arg2: memref<64x100xf32, #tpu.memory_space<vmem>>, %arg3: memref<1x100xf32, #tpu.memory_space<vmem>>, %arg4: memref<100x60xf32, #tpu.memory_space<vmem>>, %arg5: memref<1x60xf32, #tpu.memory_space<vmem>>, %arg6: memref<60x30xf32, #tpu.memory_space<vmem>>, %arg7: memref<1x30xf32, #tpu.memory_space<vmem>>, %arg8: memref<30x1xf32, #tpu.memory_space<vmem>>, %arg9: memref<1x1xf32, #tpu.memory_space<vmem>>, %arg10: memref<1024x1xf32, #tpu.memory_space<vmem>>, %arg11: memref<1024x1xf32, #tpu.memory_space<vmem>>) attributes {dimension_semantics = [], scalar_prefetch = 0 : i64, scratch_operands = 0 : i64, tpu.core_type = #tpu.core_type<tc>} {
    %get3A = arith.constant 0 : index
    %get3A_0 = arith.constant 0 : index
    %get3A_1 = vector.load %arg0[%get3A, %get3A_0] : memref<1024x64xf32, #tpu.memory_space<vmem>>, vector<1024x64xf32>
    %get3A_2 = arith.constant 0 : index
    %get3A_3 = arith.constant 0 : index
    %get3A_4 = vector.load %arg1[%get3A_2, %get3A_3] : memref<1024x64xf32, #tpu.memory_space<vmem>>, vector<1024x64xf32>
    %concatenate3A = tpu.concatenate %get3A_1, %get3A_4 in 0 : vector<1024x64xf32>, vector<1024x64xf32> -> vector<2048x64xf32>
    %get3A_5 = arith.constant 0 : index
    %get3A_6 = arith.constant 0 : index
    %get3A_7 = vector.load %arg2[%get3A_5, %get3A_6] : memref<64x100xf32, #tpu.memory_space<vmem>>, vector<64x100xf32>
    %dot_general3A = arith.constant dense<0.000000e+00> : vector<2048x100xf32>
    %dot_general3A_8 = tpu.matmul %concatenate3A, %get3A_7, %dot_general3A {dimension_numbers = #tpu.dot_dimension_numbers<[1], [0], [0], [1], [0, 0, 1, 1], [], []>, transpose_lhs_hint = false} : vector<2048x64xf32>, vector<64x100xf32>, vector<2048x100xf32> -> vector<2048x100xf32>
    %get3A_9 = arith.constant 0 : index
    %get3A_10 = arith.constant 0 : index
    %get3A_11 = vector.load %arg3[%get3A_9, %get3A_10] : memref<1x100xf32, #tpu.memory_space<vmem>>, vector<1x100xf32>
    %add3A = vector.broadcast %get3A_11 : vector<1x100xf32> to vector<2048x100xf32>
    %add3A_12 = arith.addf %dot_general3A_8, %add3A : vector<2048x100xf32>
    %gt3A = arith.constant 0.000000e+00 : f32
    %gt3A_13 = vector.broadcast %gt3A : f32 to vector<2048x100xf32>
    %gt3A_14 = arith.cmpf ogt, %add3A_12, %gt3A_13 : vector<2048x100xf32>
    %mul3A = arith.constant 0.00999999977 : f32
    %mul3A_15 = vector.broadcast %mul3A : f32 to vector<2048x100xf32>
    %mul3A_16 = arith.mulf %mul3A_15, %add3A_12 : vector<2048x100xf32>
    %select_n3A = arith.select %gt3A_14, %add3A_12, %mul3A_16 : vector<2048x100xi1>, vector<2048x100xf32>
    %get3A_17 = arith.constant 0 : index
    %get3A_18 = arith.constant 0 : index
    %get3A_19 = vector.load %arg4[%get3A_17, %get3A_18] : memref<100x60xf32, #tpu.memory_space<vmem>>, vector<100x60xf32>
    %dot_general3A_20 = arith.constant dense<0.000000e+00> : vector<2048x60xf32>
    %dot_general3A_21 = tpu.matmul %select_n3A, %get3A_19, %dot_general3A_20 {dimension_numbers = #tpu.dot_dimension_numbers<[1], [0], [0], [1], [0, 0, 1, 1], [], []>, transpose_lhs_hint = false} : vector<2048x100xf32>, vector<100x60xf32>, vector<2048x60xf32> -> vector<2048x60xf32>
    %get3A_22 = arith.constant 0 : index
    %get3A_23 = arith.constant 0 : index
    %get3A_24 = vector.load %arg5[%get3A_22, %get3A_23] : memref<1x60xf32, #tpu.memory_space<vmem>>, vector<1x60xf32>
    %add3A_25 = vector.broadcast %get3A_24 : vector<1x60xf32> to vector<2048x60xf32>
    %add3A_26 = arith.addf %dot_general3A_21, %add3A_25 : vector<2048x60xf32>
    %gt3A_27 = arith.constant 0.000000e+00 : f32
    %gt3A_28 = vector.broadcast %gt3A_27 : f32 to vector<2048x60xf32>
    %gt3A_29 = arith.cmpf ogt, %add3A_26, %gt3A_28 : vector<2048x60xf32>
    %mul3A_30 = arith.constant 0.00999999977 : f32
    %mul3A_31 = vector.broadcast %mul3A_30 : f32 to vector<2048x60xf32>
    %mul3A_32 = arith.mulf %mul3A_31, %add3A_26 : vector<2048x60xf32>
    %select_n3A_33 = arith.select %gt3A_29, %add3A_26, %mul3A_32 : vector<2048x60xi1>, vector<2048x60xf32>
    %get3A_34 = arith.constant 0 : index
    %get3A_35 = arith.constant 0 : index
    %get3A_36 = vector.load %arg6[%get3A_34, %get3A_35] : memref<60x30xf32, #tpu.memory_space<vmem>>, vector<60x30xf32>
    %dot_general3A_37 = arith.constant dense<0.000000e+00> : vector<2048x30xf32>
    %dot_general3A_38 = tpu.matmul %select_n3A_33, %get3A_36, %dot_general3A_37 {dimension_numbers = #tpu.dot_dimension_numbers<[1], [0], [0], [1], [0, 0, 1, 1], [], []>, transpose_lhs_hint = false} : vector<2048x60xf32>, vector<60x30xf32>, vector<2048x30xf32> -> vector<2048x30xf32>
    %get3A_39 = arith.constant 0 : index
    %get3A_40 = arith.constant 0 : index
    %get3A_41 = vector.load %arg7[%get3A_39, %get3A_40] : memref<1x30xf32, #tpu.memory_space<vmem>>, vector<1x30xf32>
    %add3A_42 = vector.broadcast %get3A_41 : vector<1x30xf32> to vector<2048x30xf32>
    %add3A_43 = arith.addf %dot_general3A_38, %add3A_42 : vector<2048x30xf32>
    %gt3A_44 = arith.constant 0.000000e+00 : f32
    %gt3A_45 = vector.broadcast %gt3A_44 : f32 to vector<2048x30xf32>
    %gt3A_46 = arith.cmpf ogt, %add3A_43, %gt3A_45 : vector<2048x30xf32>
    %mul3A_47 = arith.constant 0.00999999977 : f32
    %mul3A_48 = vector.broadcast %mul3A_47 : f32 to vector<2048x30xf32>
    %mul3A_49 = arith.mulf %mul3A_48, %add3A_43 : vector<2048x30xf32>
    %select_n3A_50 = arith.select %gt3A_46, %add3A_43, %mul3A_49 : vector<2048x30xi1>, vector<2048x30xf32>
    %get3A_51 = arith.constant 0 : index
    %get3A_52 = arith.constant 0 : index
    %get3A_53 = vector.load %arg8[%get3A_51, %get3A_52] : memref<30x1xf32, #tpu.memory_space<vmem>>, vector<30x1xf32>
    %dot_general3A_54 = arith.constant dense<0.000000e+00> : vector<2048x1xf32>
    %dot_general3A_55 = tpu.matmul %select_n3A_50, %get3A_53, %dot_general3A_54 {dimension_numbers = #tpu.dot_dimension_numbers<[1], [0], [0], [1], [0, 0, 1, 1], [], []>, transpose_lhs_hint = false} : vector<2048x30xf32>, vector<30x1xf32>, vector<2048x1xf32> -> vector<2048x1xf32>
    %get3A_56 = arith.constant 0 : index
    %get3A_57 = arith.constant 0 : index
    %get3A_58 = vector.load %arg9[%get3A_56, %get3A_57] : memref<1x1xf32, #tpu.memory_space<vmem>>, vector<1x1xf32>
    %add3A_59 = vector.broadcast %get3A_58 : vector<1x1xf32> to vector<2048x1xf32>
    %add3A_60 = arith.addf %dot_general3A_55, %add3A_59 : vector<2048x1xf32>
    %gt3A_61 = arith.constant 0.000000e+00 : f32
    %gt3A_62 = vector.broadcast %gt3A_61 : f32 to vector<2048x1xf32>
    %gt3A_63 = arith.cmpf ogt, %add3A_60, %gt3A_62 : vector<2048x1xf32>
    %mul3A_64 = arith.constant 0.00999999977 : f32
    %mul3A_65 = vector.broadcast %mul3A_64 : f32 to vector<2048x1xf32>
    %mul3A_66 = arith.mulf %mul3A_65, %add3A_60 : vector<2048x1xf32>
    %select_n3A_67 = arith.select %gt3A_63, %add3A_60, %mul3A_66 : vector<2048x1xi1>, vector<2048x1xf32>
    %slice3A = vector.extract_strided_slice %select_n3A_67 {offsets = [0, 0], sizes = [1024, 1], strides = [1, 1]} : vector<2048x1xf32> to vector<1024x1xf32>
    %swap3A = arith.constant 0 : index
    %swap3A_68 = arith.constant 0 : index
    %swap3A_69 = vector.load %arg10[%swap3A, %swap3A_68] : memref<1024x1xf32, #tpu.memory_space<vmem>>, vector<1024x1xf32>
    tpu.vector_store %arg10[%swap3A, %swap3A_68], %slice3A {strides = array<i32>} : memref<1024x1xf32, #tpu.memory_space<vmem>>, vector<1024x1xf32>,
    %slice3A_70 = vector.extract_strided_slice %select_n3A_67 {offsets = [1024, 0], sizes = [1024, 1], strides = [1, 1]} : vector<2048x1xf32> to vector<1024x1xf32>
    %swap3A_71 = arith.constant 0 : index
    %swap3A_72 = arith.constant 0 : index
    %swap3A_73 = vector.load %arg11[%swap3A_71, %swap3A_72] : memref<1024x1xf32, #tpu.memory_space<vmem>>, vector<1024x1xf32>
    tpu.vector_store %arg11[%swap3A_71, %swap3A_72], %slice3A_70 {strides = array<i32>} : memref<1024x1xf32, #tpu.memory_space<vmem>>, vector<1024x1xf32>,
    return
  }
}

</mosaic_0001>

<sc_bundles>
// kernel: kernel.5.cloned.1.call-start
scs
__scs_entry_jumppad:
0x0: {  	(pc) =	sbr.rel $0x88, $3  }
0x1: {  	(tag) =	ssettag $0x0;
	lr =	simm.s32 $0x1  }
0x2: {  	[smem:$0x3F8E] =	sst lr;
	_ =	strace $0xD0000000  }
0x3: {  	_ = 	snop  }
0x4: {  	_ = 	snop  }
0x5: {  	_ = 	snop  }
0x6: {  	_ = 	snop  }
0x7: {  	_ = 	snop  }
__scs_overlays_trampoline_lowered:
0x8: {  	[smem:$0x3F9D] =	sst s0  }
0x9: {  	[smem:$0x3F9E] =	sst s1  }
0xa: {  	[smem:$0x3F9F] =	sst s2  }
0xb: {  	[smem:$0x3FA0] =	sst s3  }
0xc: {  	[smem:$0x3FA1] =	sst s4  }
0xd: {  	[smem:$0x3FA2] =	sst s5  }
0xe: {  	[smem:$0x3FA3] =	sst s6  }
0xf: {  	[smem:$0x3FA4] =	sst s7  }
0x10: {  	[smem:$0x3FA5] =	sst s8  }
0x11: {  	[smem:$0x3FA6] =	sst s9;
	s0 =	simm.s32 @!p0 $0x0  }
0x12: {  	s1 =	sld [smem:$0x3F8C];
	s0 =	simm.s32 @p0 $0x1  }
0x13: {  	[smem:$0x3FA7] =	sst s0;
	s0 =	simm.s32 @!p1 $0x0  }
0x14: {  	s2 =	sld [smem:$0x3F8B];
	s0 =	simm.s32 @p1 $0x1  }
0x15: {  	[smem:$0x3FA8] =	sst s0;
	s0 =	simm.s32 @!p2 $0x0  }
0x16: {  	s3 =	sld [smem:$0x3FDB];
	s0 =	simm.s32 @p2 $0x1  }
0x17: {  	s4 =	simm.s32 $0x1BF5;
	[smem:$0x3FAA] =	sst s0  }
0x18: {  	s0 =	sld [smem:$0x3F8D];
	_ =	swait.ge [sflag:s4], $0x0  }
0x19: {  	s7 =	sld [smem:$0x3F8E]  }
0x1a: {  	s8 =	sadd.s32 $0xFFFFE003, lr  }
0x1b: {  	s9 =	sadd.s32 $0xFFFFFEF7, lr;
	s5 =	simm.s32 $0xFFFFFFFF;
	p2 =	slt.u32 s8, $0xFFFFF086  }
0x1c: {  	p1 =	slt.u32 s9, $0xF7A;
	s5 =	simm.s32 @!p2 $0x0  }
0x1d: {  	s5 =	simm.s32 @p1 $0x1;
	p0 =	seq.s32 s7, s2  }
0x1e: {  	s7 =	smul.u32 @!p0 $0xF7A, s2;
	p2 =	seq.s32 @!p0 s5, $0x0  }
0x1f: {  	s9 =	smul.u32 $0xF7A, s1;
	s8 =	simm.s32 @!p0 $0x1BF5;
	p2 =	por !p2, p0  }
0x20: {  	[sflag:s8] =	ssyncset.s32 @!p0 $0xFFFFF086;
	s6 =	sadd.s32 @!p0 s3, s7;
	s7 =	simm.s32 @!p0 $0x108  }
0x21: {  	s3 =	sadd.s32 s3, s9;
	s6 =	sadd.s32 @!p0 $0x88, s6;
	s7 =	simm.s32 @p2 $0x1082  }
0x22: {  	[simem:s7], [sflag:s8] =	dma.local @!p0 [hbm:s6], $0xF7A  }
0x23: {  	s9 =	sor.u32 $0xD0000000, s2;
	s6 =	simm.s32 $0x108;
	_ =	swait.ge @!p0 [sflag:s8], $0x0  }
0x24: {  	s3 =	sadd.s32 $0x88, s3;
	s6 =	simm.s32 @!p1 $0x1082;
	[sflag:s4] =	ssyncset.s32 $0xFFFFF086  }
0x25: {  	[simem:s6], [sflag:s4] =	dma.local [hbm:s3], $0xF7A  }
0x26: {  	[smem:$0x3F8E] =	sst s1;
	(tag) =	ssettag s2;
	_ =	strace s9  }
0x27: {  	s1 =	sld [smem:$0x3F9E]  }
0x28: {  	s2 =	sld [smem:$0x3F9F]  }
0x29: {  	s4 =	sld [smem:$0x3FA1]  }
0x2a: {  	p0 =	seq.s32 s5, $0x0;
	s5 =	sld [smem:$0x3FA2]  }
0x2b: {  	s6 =	sld [smem:$0x3FA3]  }
0x2c: {  	s7 =	sld [smem:$0x3FA4]  }
0x2d: {  	s3 =	simm.s32 $0x108;
	s8 =	sld [smem:$0x3FA5]  }
0x2e: {  	s3 =	simm.s32 @!p0 $0x1082;
	s9 =	sld [smem:$0x3FA6]  }
0x2f: {  	lr =	sadd.s32 s0, s3;
	s0 =	sld [smem:$0x3F9D]  }
0x30: {  	s3 =	sld [smem:$0x3FA0]  }
0x31: {  	[smem:$0x3FA9] =	sst s10  }
0x32: {  	s10 =	sld [smem:$0x3FA7];
	_ =	sdelay $0x3  }
0x33: {  	p0 =	seq.s32 s10, $0x1;
	s10 =	sld [smem:$0x3FA9];
	_ =	sdelay $0x3  }
0x34: {  	[smem:$0x3FA9] =	sst s10  }
0x35: {  	s10 =	sld [smem:$0x3FA8];
	_ =	sdelay $0x3  }
0x36: {  	p1 =	seq.s32 s10, $0x1;
	s10 =	sld [smem:$0x3FA9];
	_ =	sdelay $0x3  }
0x37: {  	[smem:$0x3FA9] =	sst s10  }
0x38: {  	s10 =	sld [smem:$0x3FAA]  }
0x39: {  	_ = 	snop;
	(pc) =	sbr.ind lr, $3  }
0x3a: {  	_ = 	snop  }
0x3b: {  	_ = 	snop  }
0x3c: {  	p2 =	seq.s32 s10, $0x1;
	s10 =	sld [smem:$0x3FA9]  }
0x3d: {  	_ =	shalt  }
0x3e: {  	_ =	shalt  }
0x3f: {  	_ =	shalt  }
0x40: {  	_ =	shalt  }
0x41: {  	_ =	shalt  }
0x42: {  	_ =	shalt  }
0x43: {  	_ =	shalt  }
0x44: {  	_ =	shalt  }
0x45: {  	_ =	shalt  }
0x46: {  	_ =	shalt  }
0x47: {  	_ =	shalt  }
0x48: {  	_ =	shalt  }
0x49: {  	_ =	shalt  }
0x4a: {  	_ =	shalt  }
0x4b: {  	_ =	shalt  }
0x4c: {  	_ =	shalt  }
0x4d: {  	_ =	shalt  }
0x4e: {  	_ =	shalt  }
0x4f: {  	_ =	shalt  }
0x50: {  	_ =	shalt  }
0x51: {  	_ =	shalt  }
0x52: {  	_ =	shalt  }
0x53: {  	_ =	shalt  }
0x54: {  	_ =	shalt  }
0x55: {  	_ =	shalt  }
0x56: {  	_ =	shalt  }
0x57: {  	_ =	shalt  }
0x58: {  	_ =	shalt  }
0x59: {  	_ =	shalt  }
0x5a: {  	_ =	shalt  }
0x5b: {  	_ =	shalt  }
0x5c: {  	_ =	shalt  }
0x5d: {  	_ =	shalt  }
0x5e: {  	_ =	shalt  }
0x5f: {  	_ =	shalt  }
0x60: {  	_ =	shalt  }
0x61: {  	_ =	shalt  }
0x62: {  	_ =	shalt  }
0x63: {  	_ =	shalt  }
0x64: {  	_ =	shalt  }
0x65: {  	_ =	shalt  }
0x66: {  	_ =	shalt  }
0x67: {  	_ =	shalt  }
0x68: {  	_ =	shalt  }
0x69: {  	_ =	shalt  }
0x6a: {  	_ =	shalt  }
0x6b: {  	_ =	shalt  }
0x6c: {  	_ =	shalt  }
0x6d: {  	_ =	shalt  }
0x6e: {  	_ =	shalt  }
0x6f: {  	_ =	shalt  }
0x70: {  	_ =	shalt  }
0x71: {  	_ =	shalt  }
0x72: {  	_ =	shalt  }
0x73: {  	_ =	shalt  }
0x74: {  	_ =	shalt  }
0x75: {  	_ =	shalt  }
0x76: {  	_ =	shalt  }
0x77: {  	_ =	shalt  }
0x78: {  	_ =	shalt  }
0x79: {  	_ =	shalt  }
0x7a: {  	_ =	shalt  }
0x7b: {  	_ =	shalt  }
0x7c: {  	_ =	shalt  }
0x7d: {  	_ =	shalt  }
0x7e: {  	_ =	shalt  }
0x7f: {  	_ =	shalt  }
0x80: {  	_ =	shalt  }
0x81: {  	_ =	shalt  }
0x82: {  	_ =	shalt  }
0x83: {  	_ =	shalt  }
0x84: {  	_ =	shalt  }
0x85: {  	_ =	shalt  }
0x86: {  	_ =	shalt  }
0x87: {  	_ =	shalt  }
.Lfunc_end0:
.L_simem_size_0:
called_computation_lowered:
.L_overlay_start_0:
0x88: {  	s2 =	sld [smem:$0x3FD9]  }
0x89: {  	s3 =	sld [smem:$0x3FFE];
	_ =	sdelay $0x1  }
0x8a: {  	s1 =	srdreg.scid  }
0x8b: {  	s0 =	sand.u32 $0x1, s1  }
0x8c: {  	s14 =	sshll.u32 s0, $0xA;
	s2 =	sadd.s32 s3, s2  }
0x8d: {  	s2 =	sadd.s32 s2, s14  }
0x8e: {  	[smem:$0x3FB5] =	sst s2  }
0x8f: {  	_ = 	snop  }
0x90: {  	s2 =	sld [smem:$0x3FD0];
	_ =	sdelay $0x2  }
0x91: {  	s15 =	simm.s32 $0xA;
	s4 =	simm.s32 $0x10  }
0x92: {  	[smem:s4], [sflag:s15] =	dma.local [hbm:s2], $0x1  }
0x93: {  	_ =	swait.eq [sflag:s15], $0x1  }
0x94: {  	[sflag:s15] =	ssyncset.done $0x0  }
0x95: {  	[sflag:s15] =	ssyncadd.s32 $0xFFFFFFFF  }
0x96: {  	s16 =	sld [smem:$0x12];
	(tm) =	ssettm $0x1  }
0x97: {  	s17 =	sld [smem:$0x3FFB];
	_ =	sdelay $0x3  }
0x98: {  	_ =	strace s17  }
0x99: {  	s3 =	sld [smem:$0x3FFC];
	_ =	sdelay $0x3  }
0x9a: {  	_ =	strace s3  }
0x9b: {  	s3 =	sld [smem:$0x3FFD];
	_ =	sdelay $0x3  }
0x9c: {  	_ =	strace s3  }
0x9d: {  	_ =	strace $0x8FFFFFFF  }
0x9e: {  	s18 =	sld [smem:$0x3FDB];
	_ =	sdelay $0x1  }
0x9f: {  	s19 =	simm.s32 $_scs_section_size  }
0xa0: {  	s5 =	simm.s32 $_size__tile_overlayer_lowered;
	s6 =	simm.s32 $_tile_overlayer_lowered  }
0xa1: {  	s22 =	simm.s32 $0x1BFF;
	s21 =	sshll.u32 s6, $0x1;
	s3 =	sadd.s32 s19, s18  }
0xa2: {  	s7 =	simm.s32 $0x0;
	s20 =	sshll.u32 s5, $0x1;
	s5 =	sadd.s32 s21, s3  }
0xa3: {  	[timem:s7], [sflag:s22] =	dma.local [hbm:s5], s20  }
0xa4: {  	_ =	swait.ge [sflag:s22], s20  }
0xa5: {  	s4 =	ssub.s32 $0x0, s20;
	[sflag:s22] =	ssyncset.done $0x0  }
0xa6: {  	[sflag:s22] =	ssyncadd.s32 s4;
	_ =	sdelay $0x1  }
0xa7: {  	s23 =	simm.s32 $0x1B8B  }
0xa8: {  	_ =	swait.ge [sflag:s23], $0x1  }
0xa9: {  	[sflag:s23] =	ssyncset.done $0x0  }
0xaa: {  	s25 =	simm.s32 $0x1B8E;
	s24 =	sld [smem:$0x3FFE];
	[sflag:s23] =	ssyncadd.s32 $0xFFFFFFFF  }
0xab: {  	s26 =	simm.s32 $execute0_lowered;
	[smem:$0x3FD2] =	sst s25  }
0xac: {  	s5 =	sshll.u32 s26, $0x1;
	_ =	strace $0x80000046;
	[dreg:$0x1] =	wrdreg $0xFFFFFFFF  }
0xad: {  	s28 =	simm.s32 $_size_execute0_lowered;
	s3 =	sadd.s32 s3, s5;
	[dreg:$0x0] =	wrdreg $0x0  }
0xae: {  	s5 =	sshll.u32 s28, $0x1;
	[dreg:$0x2] =	wrdreg s3  }
0xaf: {  	[dreg:$0x3] =	wrdreg s5  }
0xb0: {  	[dreg:$0x4] =	wrdreg $0xC0  }
0xb1: {  	_ =	task [dreg:s7], $0x5FFFF  }
0xb2: {  	[dreg:$0x1] =	wrdreg $0xFFFFFFFF  }
0xb3: {  	[dreg:$0x0] =	wrdreg $0x60  }
0xb4: {  	[dreg:$0x2] =	wrdreg s24  }
0xb5: {  	[dreg:$0x3] =	wrdreg s16  }
0xb6: {  	[dreg:$0x4] =	wrdreg $0x9  }
0xb7: {  	_ =	task.clear_ibuf [dreg:s7], $0x5FFFF;
	_ =	strace $0x90000046  }
0xb8: {  	s29 =	simm.s32 $0x9;
	_ =	strace $0x80000048  }
0xb9: {  	_ =	swait.ge [sflag:s29], $0x1  }
0xba: {  	[sflag:s29] =	ssyncadd.s32 $0xFFFFFFFF  }
0xbb: {  	_ =	strace $0x90000048  }
0xbc: {  	_ =	sfence  }
0xbd: {  	s30 =	sld [smem:$0x0];
	_ =	sdelay $0x2  }
0xbe: {  	s31 =	sshll.u32 s1, $0xD;
	s1 =	sshrl.u32 s1, $0x2  }
0xbf: {  	s3 =	sand.u32 $0x4000, s31;
	s1 =	sadd.s32 s1, s30  }
0xc0: {  	s0 =	sor.u32 s3, s0;
	s1 =	sshll.u32 s1, $0x11  }
0xc1: {  	s0 =	sor.u32 s1, s0  }
0xc2: {  	s0 =	sadd.s32 $0x8F2B, s0  }
0xc3: {  	[sflag:s0] =	ssyncadd.remote.s32 $0x1  }
0xc4: {  	_ =	sfence.sel $0xFFFF  }
0xc5: {  	[dreg:$0x0] =	wrdreg $0xFFFFFFFF;
	(pc) =	sbr.abs _section_cstart, $3  }
0xc6: {  	[dreg:$0x1] =	wrdreg $0xFFFFFFFF  }
0xc7: {  	_ =	task.clear_ibuf [dreg:s7], $0x2FFFF;
	_ =	strace $0x9FFFFFFF  }
0xc8: {  	(tm) =	ssettm $0x7FFFFFFF  }
0xc9: {  	_ =	shalt  }
tec
execute0_lowered:
.L_overlay_start_1:
0x0: {  	(tag) =	ssettag $0x1  }
0x1: {  	s4 =	rddreg [dreg:$0x0]  }
0x2: {  	s5 =	rddreg [dreg:$0x1];
	s3 =	srdreg.scid  }
0x3: {  	s0 =	rddreg [dreg:$0x2];
	s2 =	simm.s32 $0x0;
	s6 =	sand.u32 $0x1, s3  }
0x4: {  	s1 =	stileid.u32;
	s8 =	sshll.u32 s6, $0x5;
	s6 =	ssub.s32 $0x2, s6  }
0x5: {  	s14 =	simm.s32 $0x2;
	s10 =	simm.s32 $0x60;
	s9 =	sshrl.u32 s6, $0x1  }
0x6: {  	s12 =	simm.s32 $0x80;
	s11 =	simm.s32 $0x2100;
	s9 =	ssub.s32 s6, s9  }
0x7: {  	p0 =	por $0x0, $0x0;
	s7 =	sshll.u32 s1, $0x6;
	s15 =	smax.u32 s9, $0x1  }
0x8: {  	[smem:$0x7FF] =	sst s2;
	s7 =	sor.u32 s8, s7;
	p1 =	sne.s32 s15, $0x1  }
.Ltmp0:
0x9: {  	s3 =	sadd.s32 $0x3200, s4;
	s8 =	sshrl.u32 s7, $0x3;
	(pc) =	sbr.rel @!p1 .LBB2_3-.Ltmp0, $4  }
0xa: {  	_ =	strace $0x80000047;
	s7 =	sshll.u32 s7, $0x4;
	s8 =	sadd.s32 s8, s4  }
0xb: {  	s4 =	sadd.s32 s7, s4;
	s5 =	sadd.s32 s5, s7;
	s9 =	simm.s32 $0x1100  }
0xc: {  	s13 =	sadd.s32 $0x4400, s8;
	s6 =	sadd.s32 $0x4600, s4;
	s7 =	sadd.s32 $0x8600, s4  }
0xd: {  	s8 =	simm.s32 $0x100;
	s4 =	simm.s32 $0x1;
	s15 =	sadd.s32 $0xFFFFFFFF, s15  }
0xe: {  	[tilespmem:s2], [sflag:$0x2] =	stream.linear.gather [hbm4b:s13+s2], $0x20, $0x38;
	[tilespmem:$0x3100] =	vst v63  }
0xf: {  	_ =	swait.ge [sflag:s14], $0x20  }
0x10: {  	[sflag:s14] =	ssyncset.done $0x0  }
0x11: {  	[sflag:s14] =	ssyncadd.s32 $0xFFFFFFE0  }
0x12: {  	v0 =	vld [tilespmem:$0x10];
	_ =	sdelay $0x1  }
0x13: {  	v1 =	vld [tilespmem:$0x0];
	_ =	sdelay $0x2  }
0x14: {  	vm0 =	vlt.s32 v0, $0xF0;
	v2 =	vand.u32 $0xF, v0  }
0x15: {  	v3 =	vadd.s32 $0xFFFFFFFF, v0;
	v5 =	vadd.s32 $0xFFFFFFF0, v0;
	vm1 =	vgt.s32 v0, $0xF  }
0x16: {  	v58 =	vand.u32 $0xF, v1;
	v4 =	vnsel vm0, $0xF0, v0;
	v60 =	vnsel vm1, $0x100, v5  }
0x17: {  	v59 =	vadd.s32 $0xFFFFFFFF, v1;
	vm13 =	veq.s32 v2, $0x0;
	v4 =	vadd.s32 $0x10, v4;
	[tilespmem:$0xB0] =	vst v60  }
0x18: {  	vm2 =	vlt.s32 v1, $0xF0;
	vm14 =	veq.s32 v58, $0x0;
	v3 =	vsel vm13, $0x100, v3;
	[tilespmem:$0x90] =	vst v4  }
0x19: {  	v61 =	vnsel vm2, $0xF0, v1;
	v0 =	vsel vm14, $0x100, v59;
	[tilespmem:$0xD0] =	vst v3  }
0x1a: {  	vm15 =	vgt.s32 v1, $0xF;
	v1 =	vadd.s32 $0xFFFFFFF0, v1;
	v62 =	vadd.s32 $0x10, v61;
	[tilespmem:$0xC0] =	vst v0  }
0x1b: {  	v63 =	vnsel vm15, $0x100, v1;
	[tilespmem:$0x80] =	vst v62  }
0x1c: {  	[tilespmem:$0xA0] =	vst v63  }
0x1d: {  	[tilespmem:s8], [sflag:$0x1] =	stream.indirect.gather [hbm4b:s3+s10], $0x80, s12, s10, $0xb8;
	[tilespmem:$0x3100] =	vst v63  }
0x1e: {  	_ =	swait.ge [sflag:s4], $0x3000  }
0x1f: {  	[sflag:s4] =	ssyncset.done $0x0  }
0x20: {  	[sflag:s4] =	ssyncadd.s32 $0xFFFFD000  }
0x21: {  	[hbm4b:s5+s2] =	stream.linear.scatter [tilespmem:s8], [sflag:$0x1], $0x1000, $0x38;
	[tilespmem:$0x3100] =	vst v63  }
0x22: {  	_ = 	snop  }
0x23: {  	[hbm4b:s6+s2] =	stream.linear.scatter [tilespmem:s9], [sflag:$0x1], $0x1000, $0x38;
	[tilespmem:$0x3100] =	vst v63  }
0x24: {  	p1 =	sne.s32 s15, $0x1  }
0x25: {  	[hbm4b:s7+s2] =	stream.linear.scatter [tilespmem:s11], [sflag:$0x1], $0x1000, $0x38;
	[tilespmem:$0x3100] =	vst v63  }
.Ltmp1:
0x26: {  	_ = 	snop;
	(pc) =	sbr.rel @!p1 .LBB2_3-.Ltmp1, $4  }
0x27: {  	_ =	swait.ge [sflag:s4], $0x1000  }
0x28: {  	[sflag:s4] =	ssyncset.done $0x0  }
0x29: {  	[sflag:s4] =	ssyncadd.s32 $0xFFFFF000  }
0x2a: {  	s15 =	sadd.s32 $0xFFFFFFFF, s15;
	p0 =	por $0x1, $0x1;
	_ =	swait.ge [sflag:s4], $0x1000  }
.LBB2_2:
0x2b: {  	p1 =	sne.s32 s15, $0x1;
	s15 =	sadd.s32 $0xFFFFFFFF, s15;
	[sflag:s4] =	ssyncset.done $0x0  }
0x2c: {  	[sflag:s4] =	ssyncadd.s32 $0xFFFFF000  }
0x2d: {  	_ =	swait.ge [sflag:s4], $0x1000  }
0x2e: {  	[sflag:s4] =	ssyncset.done $0x0  }
0x2f: {  	[sflag:s4] =	ssyncadd.s32 $0xFFFFF000  }
0x30: {  	[tilespmem:s2], [sflag:$0x2] =	stream.linear.gather [hbm4b:s13+s2], $0x20, $0x38;
	[tilespmem:$0x3100] =	vst v63  }
0x31: {  	_ =	swait.ge [sflag:s14], $0x20  }
0x32: {  	[sflag:s14] =	ssyncset.done $0x0  }
0x33: {  	[sflag:s14] =	ssyncadd.s32 $0xFFFFFFE0  }
0x34: {  	v0 =	vld [tilespmem:$0x10]  }
0x35: {  	v1 =	vld [tilespmem:$0x0];
	_ =	sdelay $0x3  }
0x36: {  	vm0 =	vlt.s32 v0, $0xF0;
	v2 =	vand.u32 $0xF, v0;
	v3 =	vadd.s32 $0xFFFFFFFF, v0  }
0x37: {  	v5 =	vadd.s32 $0xFFFFFFF0, v0;
	v4 =	vnsel vm0, $0xF0, v0;
	vm0 =	veq.s32 v2, $0x0  }
0x38: {  	v2 =	vand.u32 $0xF, v1;
	v4 =	vadd.s32 $0x10, v4;
	v3 =	vsel vm0, $0x100, v3  }
0x39: {  	vm1 =	vgt.s32 v0, $0xF;
	vm0 =	veq.s32 v2, $0x0;
	v2 =	vadd.s32 $0xFFFFFFFF, v1;
	[tilespmem:$0x90] =	vst v4  }
0x3a: {  	vm2 =	vlt.s32 v1, $0xF0;
	v0 =	vsel vm0, $0x100, v2;
	v2 =	vnsel vm1, $0x100, v5;
	[tilespmem:$0xD0] =	vst v3  }
0x3b: {  	vm0 =	vgt.s32 v1, $0xF;
	v3 =	vnsel vm2, $0xF0, v1;
	v1 =	vadd.s32 $0xFFFFFFF0, v1;
	[tilespmem:$0xB0] =	vst v2  }
0x3c: {  	v2 =	vadd.s32 $0x10, v3;
	v1 =	vnsel vm0, $0x100, v1;
	[tilespmem:$0xC0] =	vst v0  }
0x3d: {  	[tilespmem:$0x80] =	vst v2  }
0x3e: {  	[tilespmem:$0xA0] =	vst v1  }
0x3f: {  	[tilespmem:s8], [sflag:$0x1] =	stream.indirect.gather [hbm4b:s3+s10], $0x80, s12, s10, $0xb8;
	[tilespmem:$0x3100] =	vst v63  }
0x40: {  	_ =	swait.ge [sflag:s4], $0x3000  }
0x41: {  	[sflag:s4] =	ssyncset.done $0x0  }
0x42: {  	[sflag:s4] =	ssyncadd.s32 $0xFFFFD000  }
0x43: {  	[hbm4b:s5+s2] =	stream.linear.scatter [tilespmem:s8], [sflag:$0x1], $0x1000, $0x38;
	[tilespmem:$0x3100] =	vst v63  }
0x44: {  	_ = 	snop  }
0x45: {  	[hbm4b:s6+s2] =	stream.linear.scatter [tilespmem:s9], [sflag:$0x1], $0x1000, $0x38;
	[tilespmem:$0x3100] =	vst v63  }
0x46: {  	_ = 	snop  }
0x47: {  	[hbm4b:s7+s2] =	stream.linear.scatter [tilespmem:s11], [sflag:$0x1], $0x1000, $0x38;
	[tilespmem:$0x3100] =	vst v63  }
.Ltmp2:
0x48: {  	_ = 	snop;
	(pc) =	sbr.rel @p1 .LBB2_2-.Ltmp2, $4  }
0x49: {  	_ =	swait.ge [sflag:s4], $0x1000  }
0x4a: {  	[sflag:s4] =	ssyncset.done $0x0  }
0x4b: {  	[sflag:s4] =	ssyncadd.s32 $0xFFFFF000  }
0x4c: {  	_ =	swait.ge [sflag:s4], $0x1000  }
.LBB2_3:
0x4d: {  	[sflag:s4] =	ssyncset.done @p0 $0x0  }
0x4e: {  	[sflag:s4] =	ssyncadd.s32 @p0 $0xFFFFF000  }
0x4f: {  	_ =	swait.ge @p0 [sflag:s4], $0x1000  }
0x50: {  	[sflag:s4] =	ssyncset.done @p0 $0x0  }
0x51: {  	[sflag:s4] =	ssyncadd.s32 @p0 $0xFFFFF000  }
0x52: {  	[tilespmem:s2], [sflag:$0x2] =	stream.linear.gather [hbm4b:s13+s2], $0x20, $0x38;
	[tilespmem:$0x3100] =	vst v63  }
0x53: {  	_ =	swait.ge [sflag:s14], $0x20  }
0x54: {  	[sflag:s14] =	ssyncset.done $0x0  }
0x55: {  	[sflag:s14] =	ssyncadd.s32 $0xFFFFFFE0  }
0x56: {  	v0 =	vld [tilespmem:$0x10];
	_ =	sdelay $0x1  }
0x57: {  	v1 =	vld [tilespmem:$0x0];
	_ =	sdelay $0x2  }
0x58: {  	vm0 =	vlt.s32 v0, $0xF0;
	v2 =	vand.u32 $0xF, v0  }
0x59: {  	v3 =	vadd.s32 $0xFFFFFFFF, v0;
	v5 =	vadd.s32 $0xFFFFFFF0, v0;
	vm1 =	vgt.s32 v0, $0xF  }
0x5a: {  	v58 =	vand.u32 $0xF, v1;
	v4 =	vnsel vm0, $0xF0, v0;
	v60 =	vnsel vm1, $0x100, v5  }
0x5b: {  	v59 =	vadd.s32 $0xFFFFFFFF, v1;
	vm13 =	veq.s32 v2, $0x0;
	v4 =	vadd.s32 $0x10, v4;
	[tilespmem:$0xB0] =	vst v60  }
0x5c: {  	vm2 =	vlt.s32 v1, $0xF0;
	vm14 =	veq.s32 v58, $0x0;
	v3 =	vsel vm13, $0x100, v3;
	[tilespmem:$0x90] =	vst v4  }
0x5d: {  	v61 =	vnsel vm2, $0xF0, v1;
	v0 =	vsel vm14, $0x100, v59;
	[tilespmem:$0xD0] =	vst v3  }
0x5e: {  	vm15 =	vgt.s32 v1, $0xF;
	v1 =	vadd.s32 $0xFFFFFFF0, v1;
	v62 =	vadd.s32 $0x10, v61;
	[tilespmem:$0xC0] =	vst v0  }
0x5f: {  	v63 =	vnsel vm15, $0x100, v1;
	[tilespmem:$0x80] =	vst v62  }
0x60: {  	[tilespmem:$0xA0] =	vst v63  }
0x61: {  	[tilespmem:s8], [sflag:$0x1] =	stream.indirect.gather [hbm4b:s3+s10], $0x80, s12, s10, $0xb8;
	[tilespmem:$0x3100] =	vst v63  }
0x62: {  	_ =	swait.ge [sflag:s4], $0x3000  }
0x63: {  	[sflag:s4] =	ssyncset.done $0x0  }
0x64: {  	[sflag:s4] =	ssyncadd.s32 $0xFFFFD000  }
0x65: {  	[hbm4b:s5+s2] =	stream.linear.scatter [tilespmem:s8], [sflag:$0x1], $0x1000, $0x38;
	[tilespmem:$0x3100] =	vst v63  }
0x66: {  	_ = 	snop  }
0x67: {  	[hbm4b:s6+s2] =	stream.linear.scatter [tilespmem:s9], [sflag:$0x1], $0x1000, $0x38;
	[tilespmem:$0x3100] =	vst v63  }
0x68: {  	_ = 	snop  }
0x69: {  	[hbm4b:s7+s2] =	stream.linear.scatter [tilespmem:s11], [sflag:$0x1], $0x1000, $0x38;
	[tilespmem:$0x3100] =	vst v63  }
0x6a: {  	_ =	swait.ge [sflag:s4], $0x1000  }
0x6b: {  	[sflag:s4] =	ssyncset.done $0x0  }
0x6c: {  	[sflag:s4] =	ssyncadd.s32 $0xFFFFF000  }
0x6d: {  	_ =	swait.ge [sflag:s4], $0x1000  }
0x6e: {  	[sflag:s4] =	ssyncset.done $0x0  }
0x6f: {  	[sflag:s4] =	ssyncadd.s32 $0xFFFFF000  }
0x70: {  	_ =	swait.ge [sflag:s4], $0x1000  }
0x71: {  	[sflag:s4] =	ssyncset.done $0x0  }
0x72: {  	[sflag:s4] =	ssyncadd.s32 $0xFFFFF000  }
0x73: {  	_ =	sfence.sel $0x180000  }
0x74: {  	[bflag:$0x0] =	sbarrier.arrive $0xFFFF  }
0x75: {  	p0 =	sne.s32 s1, $0x0;
	_ =	strace $0x90000047  }
0x76: {  	s0 =	sadd.s32 @!p0 $0x100000, s0;
	[bflag:$0x2] =	sbarrier.arrive $0xFFFF  }
0x77: {  	[sflag:s0] =	ssyncadd.tile.s32 @!p0 $0x1;
	_ =	shalt  }
.Lfunc_end2:
_tile_overlayer_lowered:
.L_overlay_start_2:
0x78: {  	(tag) =	ssettag $0x2  }
0x79: {  	s0 =	rddreg [dreg:$0x0];
	s2 =	stileid.u32  }
0x7a: {  	s1 =	rddreg [dreg:$0x1];
	p0 =	sne.s32 s2, $0x0  }
0x7b: {  	s3 =	rddreg [dreg:$0x2];
	[bflag:$0x3] =	sbarrier.arrive $0xFFFF;
	s2 =	simm.s32 @!p0 $0x1C02  }
0x7c: {  	[timem:s3], [sflag:s2] =	dma.local @!p0 [hbm:s0], s1  }
0x7d: {  	s0 =	simm.s32 @!p0 $0x2  }
0x7e: {  	_ =	swait.ge @!p0 [sflag:s0], s1  }
0x7f: {  	s1 =	ssub.s32 @!p0 $0x0, s1;
	[sflag:s0] =	ssyncset.done @!p0 $0x0  }
0x80: {  	[sflag:s0] =	ssyncadd.s32 @!p0 s1  }
0x81: {  	[bflag:$0x3] =	sbarrier.arrive $0xFFFF  }
0x82: {  	_ =	shalt  }

</sc_bundles>
